<compile_context>
chip_gen: v7x
topology: tpu7x:2x2x1
jax: 0.10.2.dev20260603
libtpu: 0.0.44.dev20260713+nightly
codegen_flags: <defaults>
</compile_context>

<pallas_src>
import jax
import jax.numpy as jnp
from jax import lax
from jax.experimental import pallas as pl
from jax.experimental.pallas import tpu as pltpu
from jax.experimental.pallas import tpu_sc as plsc

NC = 2
NS = 16
NW = NC * NS
GA = 128
G = 10
NBUF = 2


def _body(idx_hbm, table_hbm, out_hbm, idx_v, rows_v, sem_g, sem_s0, sem_s1):
    ng = idx_hbm.shape[1] // G
    wid = lax.axis_index("s") * NC + lax.axis_index("c")
    pltpu.sync_copy(idx_hbm.at[wid], idx_v)
    sem_s = (sem_s0, sem_s1)

    @pl.loop(0, ng // NBUF)
    def _outer(i):
        for b in range(NBUF):
            g = i * NBUF + b

            @pl.when(g >= NBUF)
            def _():
                pltpu.make_async_copy(
                    rows_v.at[b], out_hbm.at[wid, g - NBUF], sem_s[b]
                ).wait()

            for j in range(G):
                pltpu.async_copy(
                    table_hbm.at[idx_v.at[g * G + j]], rows_v.at[b, j], sem_g
                )
            pltpu.make_async_copy(out_hbm.at[wid, g], rows_v.at[b], sem_g).wait()
            pltpu.async_copy(rows_v.at[b], out_hbm.at[wid, g], sem_s[b])

    for b in range(NBUF):
        g = ng - NBUF + b
        pltpu.make_async_copy(rows_v.at[b], out_hbm.at[wid, g], sem_s[b]).wait()


def kernel(token_ids, weight):
    d = weight.shape[1]
    total = 1
    for s in token_ids.shape:
        total *= s
    per_w = total // NW
    ng = per_w // (G * GA)
    assert total == NW * ng * G * GA and ng % NBUF == 0

    ids = token_ids.reshape(-1).astype(jnp.int32).reshape(NW, ng * G, GA)

    k = pl.kernel(
        _body,
        out_type=jax.ShapeDtypeStruct((NW, ng, G, GA, d), jnp.float32),
        mesh=plsc.VectorSubcoreMesh(core_axis_name="c", subcore_axis_name="s"),
        compiler_params=pltpu.CompilerParams(use_tc_tiling_on_sc=False),
        scratch_types=[
            pltpu.VMEM((ng * G, GA), jnp.int32),
            pltpu.VMEM((NBUF, G, GA, d), jnp.float32),
            pltpu.SemaphoreType.DMA,
            pltpu.SemaphoreType.DMA,
            pltpu.SemaphoreType.DMA,
        ],
    )
    out = k(ids, weight)
    return out.reshape(*token_ids.shape, d)

# --- scband reference (transcript-rebuilt; emitter-appended) ---
"""Pipeline reference for scband-token-embedding-11433202942014 (READ-ONLY COPY).

The authoritative reference and input builder live on the scoring server;
editing this copy changes nothing except your own understanding.
"""

import jax, jax.numpy as jnp
import numpy as np
import math

VOCAB_SIZE = 1000000
EMBED_DIM = 32

def setup_inputs(seed: int = 0) -> dict:
    key = jax.random.key(seed)
    k1, k2 = jax.random.split(key)
    token_ids = jax.random.randint(k1, (4096, 200), 0, VOCAB_SIZE, dtype=jnp.int64 if jax.config.jax_enable_x64 else jnp.int32)
    bound = 1.0 / math.sqrt(EMBED_DIM)
    weight = jax.random.uniform(k2, (VOCAB_SIZE, EMBED_DIM), dtype=jnp.float32, minval=-bound, maxval=bound)
    return {"token_ids": token_ids, "weight": weight}

def reference(token_ids, weight):
    # Faithful translation of TokenEmbedding.forward
    batch_shape = token_ids.shape
    flat_token_ids = token_ids.reshape(-1)
    embedded = jnp.take(weight, flat_token_ids, axis=0)
    return embedded.reshape(*batch_shape, weight.shape[1])

if __name__ == "__main__":
    import jax
    _d = setup_inputs()
    print(jax.jit(kernel)(*tuple(_d.values())))

</pallas_src>

<mosaic_0001>
#map = affine_map<(d0, d1) -> (0, 0, 0)>
#map1 = affine_map<(d0, d1) -> (0, 0)>
#map2 = affine_map<(d0, d1) -> (0, 0, 0, 0, 0)>
module attributes {stable_mosaic.version = 14 : i64} {
  func.func @_body(%arg0: i32, %arg1: i32, %arg2: memref<32x200x128xi32, #tpu.memory_space<hbm>>, %arg3: memref<1000000x32xf32, #tpu.memory_space<hbm>>, %arg4: memref<32x20x10x128x32xf32, #tpu.memory_space<hbm>>, %arg5: memref<200x128xi32, #tpu.memory_space<vmem>>, %arg6: memref<2x10x128x32xf32, #tpu.memory_space<vmem>>, %arg7: memref<!tpu.dma_semaphore, #tpu.memory_space<semaphore_mem>>, %arg8: memref<!tpu.dma_semaphore, #tpu.memory_space<semaphore_mem>>, %arg9: memref<!tpu.dma_semaphore, #tpu.memory_space<semaphore_mem>>) attributes {dimension_semantics = [#tpu.dimension_semantics<core_parallel>, #tpu.dimension_semantics<subcore_parallel>], iteration_bounds = array<i64: 2, 16>, scalar_prefetch = 0 : i64, scratch_operands = 5 : i64, tpu.core_type = #tpu.core_type<sc_vector_subcore>, window_params = [{transform_indices = #map}, {transform_indices = #map1}, {transform_indices = #map2}]} {
    %mul3A = arith.constant 2 : i32
    %mul3A_0 = arith.muli %arg1, %mul3A : i32
    %add3A = arith.addi %mul3A_0, %arg0 : i32
    "tpu.region"() ({
      %run_scoped3A = tpu.sem_alloc : memref<!tpu.dma_semaphore, #tpu.memory_space<semaphore_mem>>
      %dma_start3A = arith.constant 0 : i32
      %dma_start3A_48 = arith.constant 0 : i32
      %dma_start3A_49 = tpu.memref_slice %arg2[%add3A, %dma_start3A, %dma_start3A_48] : memref<32x200x128xi32, #tpu.memory_space<hbm>> -> memref<1x200x128xi32, #tpu.memory_space<hbm>>
      %dma_start3A_50 = tpu.memref_squeeze %dma_start3A_49 : memref<1x200x128xi32, #tpu.memory_space<hbm>> -> memref<200x128xi32, #tpu.memory_space<hbm>>
      %dma_start3A_51 = arith.constant 0 : i32
      %dma_start3A_52 = arith.constant 0 : i32
      %dma_start3A_53 = tpu.memref_slice %arg2[%add3A, %dma_start3A_51, %dma_start3A_52] : memref<32x200x128xi32, #tpu.memory_space<hbm>> -> memref<1x200x128xi32, #tpu.memory_space<hbm>>
      %dma_start3A_54 = tpu.memref_squeeze %dma_start3A_53 : memref<1x200x128xi32, #tpu.memory_space<hbm>> -> memref<200x128xi32, #tpu.memory_space<hbm>>
      tpu.enqueue_dma source(%dma_start3A_54 : memref<200x128xi32, #tpu.memory_space<hbm>>) target(%arg5 : memref<200x128xi32, #tpu.memory_space<vmem>>) target_semaphore(%run_scoped3A : memref<!tpu.dma_semaphore, #tpu.memory_space<semaphore_mem>>)
      %dma_wait3A_55 = arith.constant 0 : i32
      %dma_wait3A_56 = arith.constant 0 : i32
      %dma_wait3A_57 = tpu.memref_slice %arg2[%add3A, %dma_wait3A_55, %dma_wait3A_56] : memref<32x200x128xi32, #tpu.memory_space<hbm>> -> memref<1x200x128xi32, #tpu.memory_space<hbm>>
      %dma_wait3A_58 = tpu.memref_squeeze %dma_wait3A_57 : memref<1x200x128xi32, #tpu.memory_space<hbm>> -> memref<200x128xi32, #tpu.memory_space<hbm>>
      %dma_wait3A_59 = arith.constant 0 : i32
      %dma_wait3A_60 = arith.constant 0 : i32
      %dma_wait3A_61 = tpu.memref_slice %arg2[%add3A, %dma_wait3A_59, %dma_wait3A_60] : memref<32x200x128xi32, #tpu.memory_space<hbm>> -> memref<1x200x128xi32, #tpu.memory_space<hbm>>
      %dma_wait3A_62 = tpu.memref_squeeze %dma_wait3A_61 : memref<1x200x128xi32, #tpu.memory_space<hbm>> -> memref<200x128xi32, #tpu.memory_space<hbm>>
      tpu.wait_dma2 semaphore(%run_scoped3A : memref<!tpu.dma_semaphore, #tpu.memory_space<semaphore_mem>>) src(%dma_wait3A_62 : memref<200x128xi32, #tpu.memory_space<hbm>>) dst(%arg5 : memref<200x128xi32, #tpu.memory_space<vmem>>)
      tpu.yield
    }) : () -> ()
    %scan3A = arith.constant 0 : i32
    %scan3A_1 = arith.constant 10 : i32
    %scan3A_2 = arith.addi %scan3A, %scan3A_1 : i32
    %scan3A_3 = arith.constant 1 : i32
    scf.for %scan3A_48 = %scan3A to %scan3A_2 step %scan3A_3  : i32 {
      %mul3A_49 = arith.constant 1 : i32
      %mul3A_50 = arith.muli %scan3A_48, %mul3A_49 : i32
      %add3A_51 = arith.constant 0 : i32
      %add3A_52 = arith.addi %add3A_51, %mul3A_50 : i32
      %mul3A_53 = arith.constant 2 : i32
      %mul3A_54 = arith.muli %add3A_52, %mul3A_53 : i32
      %add3A_55 = arith.constant 0 : i32
      %add3A_56 = arith.addi %mul3A_54, %add3A_55 : i32
      %ge3A = arith.constant 2 : i32
      %ge3A_57 = arith.cmpi sge, %add3A_56, %ge3A : i32
      %convert_element_type3A = arith.extui %ge3A_57 : i1 to i32
      %cond3A = arith.constant 0 : i32
      %cond3A_58 = arith.cmpi ne, %convert_element_type3A, %cond3A : i32
      scf.if %cond3A_58 {
        %sub3A = arith.constant 2 : i32
        %sub3A_471 = arith.subi %add3A_56, %sub3A : i32
        %dma_wait3A_472 = arith.constant 0 : i32
        %dma_wait3A_473 = arith.constant 0 : i32
        %dma_wait3A_474 = arith.constant 0 : i32
        %dma_wait3A_475 = arith.constant 0 : i32
        %dma_wait3A_476 = tpu.memref_slice %arg6[%dma_wait3A_472, %dma_wait3A_473, %dma_wait3A_474, %dma_wait3A_475] : memref<2x10x128x32xf32, #tpu.memory_space<vmem>> -> memref<1x10x128x32xf32, #tpu.memory_space<vmem>>
        %dma_wait3A_477 = tpu.memref_squeeze %dma_wait3A_476 : memref<1x10x128x32xf32, #tpu.memory_space<vmem>> -> memref<10x128x32xf32, #tpu.memory_space<vmem>>
        %dma_wait3A_478 = arith.constant 0 : i32
        %dma_wait3A_479 = arith.constant 0 : i32
        %dma_wait3A_480 = arith.constant 0 : i32
        %dma_wait3A_481 = tpu.memref_slice %arg4[%add3A, %sub3A_471, %dma_wait3A_478, %dma_wait3A_479, %dma_wait3A_480] : memref<32x20x10x128x32xf32, #tpu.memory_space<hbm>> -> memref<1x1x10x128x32xf32, #tpu.memory_space<hbm>>
        %dma_wait3A_482 = tpu.memref_squeeze %dma_wait3A_481 : memref<1x1x10x128x32xf32, #tpu.memory_space<hbm>> -> memref<10x128x32xf32, #tpu.memory_space<hbm>>
        %dma_wait3A_483 = arith.constant 0 : i32
        %dma_wait3A_484 = arith.constant 0 : i32
        %dma_wait3A_485 = arith.constant 0 : i32
        %dma_wait3A_486 = tpu.memref_slice %arg4[%add3A, %sub3A_471, %dma_wait3A_483, %dma_wait3A_484, %dma_wait3A_485] : memref<32x20x10x128x32xf32, #tpu.memory_space<hbm>> -> memref<1x1x10x128x32xf32, #tpu.memory_space<hbm>>
        %dma_wait3A_487 = tpu.memref_squeeze %dma_wait3A_486 : memref<1x1x10x128x32xf32, #tpu.memory_space<hbm>> -> memref<10x128x32xf32, #tpu.memory_space<hbm>>
        %dma_wait3A_488 = arith.constant 0 : i32
        %dma_wait3A_489 = arith.constant 0 : i32
        %dma_wait3A_490 = arith.constant 0 : i32
        %dma_wait3A_491 = tpu.memref_slice %arg6[%dma_wait3A_472, %dma_wait3A_488, %dma_wait3A_489, %dma_wait3A_490] : memref<2x10x128x32xf32, #tpu.memory_space<vmem>> -> memref<1x10x128x32xf32, #tpu.memory_space<vmem>>
        %dma_wait3A_492 = tpu.memref_squeeze %dma_wait3A_491 : memref<1x10x128x32xf32, #tpu.memory_space<vmem>> -> memref<10x128x32xf32, #tpu.memory_space<vmem>>
        tpu.wait_dma2 semaphore(%arg8 : memref<!tpu.dma_semaphore, #tpu.memory_space<semaphore_mem>>) src(%dma_wait3A_492 : memref<10x128x32xf32, #tpu.memory_space<vmem>>) dst(%dma_wait3A_487 : memref<10x128x32xf32, #tpu.memory_space<hbm>>)
      } else {
      }
      %mul3A_59 = arith.constant 10 : i32
      %mul3A_60 = arith.muli %add3A_56, %mul3A_59 : i32
      %add3A_61 = arith.constant 0 : i32
      %add3A_62 = arith.addi %mul3A_60, %add3A_61 : i32
      %dma_start3A = arith.constant 0 : i32
      %dma_start3A_63 = arith.constant 0 : i32
      %dma_start3A_64 = arith.constant 0 : i32
      %dma_start3A_65 = arith.constant 0 : i32
      %dma_start3A_66 = tpu.memref_slice %arg6[%dma_start3A, %dma_start3A_63, %dma_start3A_64, %dma_start3A_65] : memref<2x10x128x32xf32, #tpu.memory_space<vmem>> -> memref<1x1x128x32xf32, #tpu.memory_space<vmem>>
      %dma_start3A_67 = tpu.memref_squeeze %dma_start3A_66 : memref<1x1x128x32xf32, #tpu.memory_space<vmem>> -> memref<128x32xf32, #tpu.memory_space<vmem>>
      %dma_start3A_68 = arith.constant 0 : i32
      %dma_start3A_69 = tpu.memref_slice %arg5[%add3A_62, %dma_start3A_68] : memref<200x128xi32, #tpu.memory_space<vmem>> -> memref<1x128xi32, #tpu.memory_space<vmem>>
      %dma_start3A_70 = tpu.memref_squeeze %dma_start3A_69 : memref<1x128xi32, #tpu.memory_space<vmem>> -> memref<128xi32, #tpu.memory_space<vmem>>
      %dma_start3A_71 = arith.constant 0 : i32
      %dma_start3A_72 = arith.constant 0 : i32
      %dma_start3A_73 = tpu.memref_slice %arg3[%dma_start3A_71, %dma_start3A_72] : memref<1000000x32xf32, #tpu.memory_space<hbm>> -> memref<1000000x32xf32, #tpu.memory_space<hbm>>
      tpu.enqueue_indirect_dma source(%dma_start3A_73 : memref<1000000x32xf32, #tpu.memory_space<hbm>>) target(%dma_start3A_67 : memref<128x32xf32, #tpu.memory_space<vmem>>) offsets(%dma_start3A_70 : memref<128xi32, #tpu.memory_space<vmem>>) semaphore(%arg7 : memref<!tpu.dma_semaphore, #tpu.memory_space<semaphore_mem>>)
      %mul3A_74 = arith.constant 10 : i32
      %mul3A_75 = arith.muli %add3A_56, %mul3A_74 : i32
      %add3A_76 = arith.constant 1 : i32
      %add3A_77 = arith.addi %mul3A_75, %add3A_76 : i32
      %dma_start3A_78 = arith.constant 0 : i32
      %dma_start3A_79 = arith.constant 1 : i32
      %dma_start3A_80 = arith.constant 0 : i32
      %dma_start3A_81 = arith.constant 0 : i32
      %dma_start3A_82 = tpu.memref_slice %arg6[%dma_start3A_78, %dma_start3A_79, %dma_start3A_80, %dma_start3A_81] : memref<2x10x128x32xf32, #tpu.memory_space<vmem>> -> memref<1x1x128x32xf32, #tpu.memory_space<vmem>>
      %dma_start3A_83 = tpu.memref_squeeze %dma_start3A_82 : memref<1x1x128x32xf32, #tpu.memory_space<vmem>> -> memref<128x32xf32, #tpu.memory_space<vmem>>
      %dma_start3A_84 = arith.constant 0 : i32
      %dma_start3A_85 = tpu.memref_slice %arg5[%add3A_77, %dma_start3A_84] : memref<200x128xi32, #tpu.memory_space<vmem>> -> memref<1x128xi32, #tpu.memory_space<vmem>>
      %dma_start3A_86 = tpu.memref_squeeze %dma_start3A_85 : memref<1x128xi32, #tpu.memory_space<vmem>> -> memref<128xi32, #tpu.memory_space<vmem>>
      %dma_start3A_87 = arith.constant 0 : i32
      %dma_start3A_88 = arith.constant 0 : i32
      %dma_start3A_89 = tpu.memref_slice %arg3[%dma_start3A_87, %dma_start3A_88] : memref<1000000x32xf32, #tpu.memory_space<hbm>> -> memref<1000000x32xf32, #tpu.memory_space<hbm>>
      tpu.enqueue_indirect_dma source(%dma_start3A_89 : memref<1000000x32xf32, #tpu.memory_space<hbm>>) target(%dma_start3A_83 : memref<128x32xf32, #tpu.memory_space<vmem>>) offsets(%dma_start3A_86 : memref<128xi32, #tpu.memory_space<vmem>>) semaphore(%arg7 : memref<!tpu.dma_semaphore, #tpu.memory_space<semaphore_mem>>)
      %mul3A_90 = arith.constant 10 : i32
      %mul3A_91 = arith.muli %add3A_56, %mul3A_90 : i32
      %add3A_92 = arith.constant 2 : i32
      %add3A_93 = arith.addi %mul3A_91, %add3A_92 : i32
      %dma_start3A_94 = arith.constant 0 : i32
      %dma_start3A_95 = arith.constant 2 : i32
      %dma_start3A_96 = arith.constant 0 : i32
      %dma_start3A_97 = arith.constant 0 : i32
      %dma_start3A_98 = tpu.memref_slice %arg6[%dma_start3A_94, %dma_start3A_95, %dma_start3A_96, %dma_start3A_97] : memref<2x10x128x32xf32, #tpu.memory_space<vmem>> -> memref<1x1x128x32xf32, #tpu.memory_space<vmem>>
      %dma_start3A_99 = tpu.memref_squeeze %dma_start3A_98 : memref<1x1x128x32xf32, #tpu.memory_space<vmem>> -> memref<128x32xf32, #tpu.memory_space<vmem>>
      %dma_start3A_100 = arith.constant 0 : i32
      %dma_start3A_101 = tpu.memref_slice %arg5[%add3A_93, %dma_start3A_100] : memref<200x128xi32, #tpu.memory_space<vmem>> -> memref<1x128xi32, #tpu.memory_space<vmem>>
      %dma_start3A_102 = tpu.memref_squeeze %dma_start3A_101 : memref<1x128xi32, #tpu.memory_space<vmem>> -> memref<128xi32, #tpu.memory_space<vmem>>
      %dma_start3A_103 = arith.constant 0 : i32
      %dma_start3A_104 = arith.constant 0 : i32
      %dma_start3A_105 = tpu.memref_slice %arg3[%dma_start3A_103, %dma_start3A_104] : memref<1000000x32xf32, #tpu.memory_space<hbm>> -> memref<1000000x32xf32, #tpu.memory_space<hbm>>
      tpu.enqueue_indirect_dma source(%dma_start3A_105 : memref<1000000x32xf32, #tpu.memory_space<hbm>>) target(%dma_start3A_99 : memref<128x32xf32, #tpu.memory_space<vmem>>) offsets(%dma_start3A_102 : memref<128xi32, #tpu.memory_space<vmem>>) semaphore(%arg7 : memref<!tpu.dma_semaphore, #tpu.memory_space<semaphore_mem>>)
      %mul3A_106 = arith.constant 10 : i32
      %mul3A_107 = arith.muli %add3A_56, %mul3A_106 : i32
      %add3A_108 = arith.constant 3 : i32
      %add3A_109 = arith.addi %mul3A_107, %add3A_108 : i32
      %dma_start3A_110 = arith.constant 0 : i32
      %dma_start3A_111 = arith.constant 3 : i32
      %dma_start3A_112 = arith.constant 0 : i32
      %dma_start3A_113 = arith.constant 0 : i32
      %dma_start3A_114 = tpu.memref_slice %arg6[%dma_start3A_110, %dma_start3A_111, %dma_start3A_112, %dma_start3A_113] : memref<2x10x128x32xf32, #tpu.memory_space<vmem>> -> memref<1x1x128x32xf32, #tpu.memory_space<vmem>>
      %dma_start3A_115 = tpu.memref_squeeze %dma_start3A_114 : memref<1x1x128x32xf32, #tpu.memory_space<vmem>> -> memref<128x32xf32, #tpu.memory_space<vmem>>
      %dma_start3A_116 = arith.constant 0 : i32
      %dma_start3A_117 = tpu.memref_slice %arg5[%add3A_109, %dma_start3A_116] : memref<200x128xi32, #tpu.memory_space<vmem>> -> memref<1x128xi32, #tpu.memory_space<vmem>>
      %dma_start3A_118 = tpu.memref_squeeze %dma_start3A_117 : memref<1x128xi32, #tpu.memory_space<vmem>> -> memref<128xi32, #tpu.memory_space<vmem>>
      %dma_start3A_119 = arith.constant 0 : i32
      %dma_start3A_120 = arith.constant 0 : i32
      %dma_start3A_121 = tpu.memref_slice %arg3[%dma_start3A_119, %dma_start3A_120] : memref<1000000x32xf32, #tpu.memory_space<hbm>> -> memref<1000000x32xf32, #tpu.memory_space<hbm>>
      tpu.enqueue_indirect_dma source(%dma_start3A_121 : memref<1000000x32xf32, #tpu.memory_space<hbm>>) target(%dma_start3A_115 : memref<128x32xf32, #tpu.memory_space<vmem>>) offsets(%dma_start3A_118 : memref<128xi32, #tpu.memory_space<vmem>>) semaphore(%arg7 : memref<!tpu.dma_semaphore, #tpu.memory_space<semaphore_mem>>)
      %mul3A_122 = arith.constant 10 : i32
      %mul3A_123 = arith.muli %add3A_56, %mul3A_122 : i32
      %add3A_124 = arith.constant 4 : i32
      %add3A_125 = arith.addi %mul3A_123, %add3A_124 : i32
      %dma_start3A_126 = arith.constant 0 : i32
      %dma_start3A_127 = arith.constant 4 : i32
      %dma_start3A_128 = arith.constant 0 : i32
      %dma_start3A_129 = arith.constant 0 : i32
      %dma_start3A_130 = tpu.memref_slice %arg6[%dma_start3A_126, %dma_start3A_127, %dma_start3A_128, %dma_start3A_129] : memref<2x10x128x32xf32, #tpu.memory_space<vmem>> -> memref<1x1x128x32xf32, #tpu.memory_space<vmem>>
      %dma_start3A_131 = tpu.memref_squeeze %dma_start3A_130 : memref<1x1x128x32xf32, #tpu.memory_space<vmem>> -> memref<128x32xf32, #tpu.memory_space<vmem>>
      %dma_start3A_132 = arith.constant 0 : i32
      %dma_start3A_133 = tpu.memref_slice %arg5[%add3A_125, %dma_start3A_132] : memref<200x128xi32, #tpu.memory_space<vmem>> -> memref<1x128xi32, #tpu.memory_space<vmem>>
      %dma_start3A_134 = tpu.memref_squeeze %dma_start3A_133 : memref<1x128xi32, #tpu.memory_space<vmem>> -> memref<128xi32, #tpu.memory_space<vmem>>
      %dma_start3A_135 = arith.constant 0 : i32
      %dma_start3A_136 = arith.constant 0 : i32
      %dma_start3A_137 = tpu.memref_slice %arg3[%dma_start3A_135, %dma_start3A_136] : memref<1000000x32xf32, #tpu.memory_space<hbm>> -> memref<1000000x32xf32, #tpu.memory_space<hbm>>
      tpu.enqueue_indirect_dma source(%dma_start3A_137 : memref<1000000x32xf32, #tpu.memory_space<hbm>>) target(%dma_start3A_131 : memref<128x32xf32, #tpu.memory_space<vmem>>) offsets(%dma_start3A_134 : memref<128xi32, #tpu.memory_space<vmem>>) semaphore(%arg7 : memref<!tpu.dma_semaphore, #tpu.memory_space<semaphore_mem>>)
      %mul3A_138 = arith.constant 10 : i32
      %mul3A_139 = arith.muli %add3A_56, %mul3A_138 : i32
      %add3A_140 = arith.constant 5 : i32
      %add3A_141 = arith.addi %mul3A_139, %add3A_140 : i32
      %dma_start3A_142 = arith.constant 0 : i32
      %dma_start3A_143 = arith.constant 5 : i32
      %dma_start3A_144 = arith.constant 0 : i32
      %dma_start3A_145 = arith.constant 0 : i32
      %dma_start3A_146 = tpu.memref_slice %arg6[%dma_start3A_142, %dma_start3A_143, %dma_start3A_144, %dma_start3A_145] : memref<2x10x128x32xf32, #tpu.memory_space<vmem>> -> memref<1x1x128x32xf32, #tpu.memory_space<vmem>>
      %dma_start3A_147 = tpu.memref_squeeze %dma_start3A_146 : memref<1x1x128x32xf32, #tpu.memory_space<vmem>> -> memref<128x32xf32, #tpu.memory_space<vmem>>
      %dma_start3A_148 = arith.constant 0 : i32
      %dma_start3A_149 = tpu.memref_slice %arg5[%add3A_141, %dma_start3A_148] : memref<200x128xi32, #tpu.memory_space<vmem>> -> memref<1x128xi32, #tpu.memory_space<vmem>>
      %dma_start3A_150 = tpu.memref_squeeze %dma_start3A_149 : memref<1x128xi32, #tpu.memory_space<vmem>> -> memref<128xi32, #tpu.memory_space<vmem>>
      %dma_start3A_151 = arith.constant 0 : i32
      %dma_start3A_152 = arith.constant 0 : i32
      %dma_start3A_153 = tpu.memref_slice %arg3[%dma_start3A_151, %dma_start3A_152] : memref<1000000x32xf32, #tpu.memory_space<hbm>> -> memref<1000000x32xf32, #tpu.memory_space<hbm>>
      tpu.enqueue_indirect_dma source(%dma_start3A_153 : memref<1000000x32xf32, #tpu.memory_space<hbm>>) target(%dma_start3A_147 : memref<128x32xf32, #tpu.memory_space<vmem>>) offsets(%dma_start3A_150 : memref<128xi32, #tpu.memory_space<vmem>>) semaphore(%arg7 : memref<!tpu.dma_semaphore, #tpu.memory_space<semaphore_mem>>)
      %mul3A_154 = arith.constant 10 : i32
      %mul3A_155 = arith.muli %add3A_56, %mul3A_154 : i32
      %add3A_156 = arith.constant 6 : i32
      %add3A_157 = arith.addi %mul3A_155, %add3A_156 : i32
      %dma_start3A_158 = arith.constant 0 : i32
      %dma_start3A_159 = arith.constant 6 : i32
      %dma_start3A_160 = arith.constant 0 : i32
      %dma_start3A_161 = arith.constant 0 : i32
      %dma_start3A_162 = tpu.memref_slice %arg6[%dma_start3A_158, %dma_start3A_159, %dma_start3A_160, %dma_start3A_161] : memref<2x10x128x32xf32, #tpu.memory_space<vmem>> -> memref<1x1x128x32xf32, #tpu.memory_space<vmem>>
      %dma_start3A_163 = tpu.memref_squeeze %dma_start3A_162 : memref<1x1x128x32xf32, #tpu.memory_space<vmem>> -> memref<128x32xf32, #tpu.memory_space<vmem>>
      %dma_start3A_164 = arith.constant 0 : i32
      %dma_start3A_165 = tpu.memref_slice %arg5[%add3A_157, %dma_start3A_164] : memref<200x128xi32, #tpu.memory_space<vmem>> -> memref<1x128xi32, #tpu.memory_space<vmem>>
      %dma_start3A_166 = tpu.memref_squeeze %dma_start3A_165 : memref<1x128xi32, #tpu.memory_space<vmem>> -> memref<128xi32, #tpu.memory_space<vmem>>
      %dma_start3A_167 = arith.constant 0 : i32
      %dma_start3A_168 = arith.constant 0 : i32
      %dma_start3A_169 = tpu.memref_slice %arg3[%dma_start3A_167, %dma_start3A_168] : memref<1000000x32xf32, #tpu.memory_space<hbm>> -> memref<1000000x32xf32, #tpu.memory_space<hbm>>
      tpu.enqueue_indirect_dma source(%dma_start3A_169 : memref<1000000x32xf32, #tpu.memory_space<hbm>>) target(%dma_start3A_163 : memref<128x32xf32, #tpu.memory_space<vmem>>) offsets(%dma_start3A_166 : memref<128xi32, #tpu.memory_space<vmem>>) semaphore(%arg7 : memref<!tpu.dma_semaphore, #tpu.memory_space<semaphore_mem>>)
      %mul3A_170 = arith.constant 10 : i32
      %mul3A_171 = arith.muli %add3A_56, %mul3A_170 : i32
      %add3A_172 = arith.constant 7 : i32
      %add3A_173 = arith.addi %mul3A_171, %add3A_172 : i32
      %dma_start3A_174 = arith.constant 0 : i32
      %dma_start3A_175 = arith.constant 7 : i32
      %dma_start3A_176 = arith.constant 0 : i32
      %dma_start3A_177 = arith.constant 0 : i32
      %dma_start3A_178 = tpu.memref_slice %arg6[%dma_start3A_174, %dma_start3A_175, %dma_start3A_176, %dma_start3A_177] : memref<2x10x128x32xf32, #tpu.memory_space<vmem>> -> memref<1x1x128x32xf32, #tpu.memory_space<vmem>>
      %dma_start3A_179 = tpu.memref_squeeze %dma_start3A_178 : memref<1x1x128x32xf32, #tpu.memory_space<vmem>> -> memref<128x32xf32, #tpu.memory_space<vmem>>
      %dma_start3A_180 = arith.constant 0 : i32
      %dma_start3A_181 = tpu.memref_slice %arg5[%add3A_173, %dma_start3A_180] : memref<200x128xi32, #tpu.memory_space<vmem>> -> memref<1x128xi32, #tpu.memory_space<vmem>>
      %dma_start3A_182 = tpu.memref_squeeze %dma_start3A_181 : memref<1x128xi32, #tpu.memory_space<vmem>> -> memref<128xi32, #tpu.memory_space<vmem>>
      %dma_start3A_183 = arith.constant 0 : i32
      %dma_start3A_184 = arith.constant 0 : i32
      %dma_start3A_185 = tpu.memref_slice %arg3[%dma_start3A_183, %dma_start3A_184] : memref<1000000x32xf32, #tpu.memory_space<hbm>> -> memref<1000000x32xf32, #tpu.memory_space<hbm>>
      tpu.enqueue_indirect_dma source(%dma_start3A_185 : memref<1000000x32xf32, #tpu.memory_space<hbm>>) target(%dma_start3A_179 : memref<128x32xf32, #tpu.memory_space<vmem>>) offsets(%dma_start3A_182 : memref<128xi32, #tpu.memory_space<vmem>>) semaphore(%arg7 : memref<!tpu.dma_semaphore, #tpu.memory_space<semaphore_mem>>)
      %mul3A_186 = arith.constant 10 : i32
      %mul3A_187 = arith.muli %add3A_56, %mul3A_186 : i32
      %add3A_188 = arith.constant 8 : i32
      %add3A_189 = arith.addi %mul3A_187, %add3A_188 : i32
      %dma_start3A_190 = arith.constant 0 : i32
      %dma_start3A_191 = arith.constant 8 : i32
      %dma_start3A_192 = arith.constant 0 : i32
      %dma_start3A_193 = arith.constant 0 : i32
      %dma_start3A_194 = tpu.memref_slice %arg6[%dma_start3A_190, %dma_start3A_191, %dma_start3A_192, %dma_start3A_193] : memref<2x10x128x32xf32, #tpu.memory_space<vmem>> -> memref<1x1x128x32xf32, #tpu.memory_space<vmem>>
      %dma_start3A_195 = tpu.memref_squeeze %dma_start3A_194 : memref<1x1x128x32xf32, #tpu.memory_space<vmem>> -> memref<128x32xf32, #tpu.memory_space<vmem>>
      %dma_start3A_196 = arith.constant 0 : i32
      %dma_start3A_197 = tpu.memref_slice %arg5[%add3A_189, %dma_start3A_196] : memref<200x128xi32, #tpu.memory_space<vmem>> -> memref<1x128xi32, #tpu.memory_space<vmem>>
      %dma_start3A_198 = tpu.memref_squeeze %dma_start3A_197 : memref<1x128xi32, #tpu.memory_space<vmem>> -> memref<128xi32, #tpu.memory_space<vmem>>
      %dma_start3A_199 = arith.constant 0 : i32
      %dma_start3A_200 = arith.constant 0 : i32
      %dma_start3A_201 = tpu.memref_slice %arg3[%dma_start3A_199, %dma_start3A_200] : memref<1000000x32xf32, #tpu.memory_space<hbm>> -> memref<1000000x32xf32, #tpu.memory_space<hbm>>
      tpu.enqueue_indirect_dma source(%dma_start3A_201 : memref<1000000x32xf32, #tpu.memory_space<hbm>>) target(%dma_start3A_195 : memref<128x32xf32, #tpu.memory_space<vmem>>) offsets(%dma_start3A_198 : memref<128xi32, #tpu.memory_space<vmem>>) semaphore(%arg7 : memref<!tpu.dma_semaphore, #tpu.memory_space<semaphore_mem>>)
      %mul3A_202 = arith.constant 10 : i32
      %mul3A_203 = arith.muli %add3A_56, %mul3A_202 : i32
      %add3A_204 = arith.constant 9 : i32
      %add3A_205 = arith.addi %mul3A_203, %add3A_204 : i32
      %dma_start3A_206 = arith.constant 0 : i32
      %dma_start3A_207 = arith.constant 9 : i32
      %dma_start3A_208 = arith.constant 0 : i32
      %dma_start3A_209 = arith.constant 0 : i32
      %dma_start3A_210 = tpu.memref_slice %arg6[%dma_start3A_206, %dma_start3A_207, %dma_start3A_208, %dma_start3A_209] : memref<2x10x128x32xf32, #tpu.memory_space<vmem>> -> memref<1x1x128x32xf32, #tpu.memory_space<vmem>>
      %dma_start3A_211 = tpu.memref_squeeze %dma_start3A_210 : memref<1x1x128x32xf32, #tpu.memory_space<vmem>> -> memref<128x32xf32, #tpu.memory_space<vmem>>
      %dma_start3A_212 = arith.constant 0 : i32
      %dma_start3A_213 = tpu.memref_slice %arg5[%add3A_205, %dma_start3A_212] : memref<200x128xi32, #tpu.memory_space<vmem>> -> memref<1x128xi32, #tpu.memory_space<vmem>>
      %dma_start3A_214 = tpu.memref_squeeze %dma_start3A_213 : memref<1x128xi32, #tpu.memory_space<vmem>> -> memref<128xi32, #tpu.memory_space<vmem>>
      %dma_start3A_215 = arith.constant 0 : i32
      %dma_start3A_216 = arith.constant 0 : i32
      %dma_start3A_217 = tpu.memref_slice %arg3[%dma_start3A_215, %dma_start3A_216] : memref<1000000x32xf32, #tpu.memory_space<hbm>> -> memref<1000000x32xf32, #tpu.memory_space<hbm>>
      tpu.enqueue_indirect_dma source(%dma_start3A_217 : memref<1000000x32xf32, #tpu.memory_space<hbm>>) target(%dma_start3A_211 : memref<128x32xf32, #tpu.memory_space<vmem>>) offsets(%dma_start3A_214 : memref<128xi32, #tpu.memory_space<vmem>>) semaphore(%arg7 : memref<!tpu.dma_semaphore, #tpu.memory_space<semaphore_mem>>)
      %dma_wait3A_218 = arith.constant 0 : i32
      %dma_wait3A_219 = arith.constant 0 : i32
      %dma_wait3A_220 = arith.constant 0 : i32
      %dma_wait3A_221 = arith.constant 0 : i32
      %dma_wait3A_222 = tpu.memref_slice %arg6[%dma_wait3A_218, %dma_wait3A_219, %dma_wait3A_220, %dma_wait3A_221] : memref<2x10x128x32xf32, #tpu.memory_space<vmem>> -> memref<1x10x128x32xf32, #tpu.memory_space<vmem>>
      %dma_wait3A_223 = tpu.memref_squeeze %dma_wait3A_222 : memref<1x10x128x32xf32, #tpu.memory_space<vmem>> -> memref<10x128x32xf32, #tpu.memory_space<vmem>>
      %dma_wait3A_224 = arith.constant 0 : i32
      %dma_wait3A_225 = arith.constant 0 : i32
      %dma_wait3A_226 = arith.constant 0 : i32
      %dma_wait3A_227 = tpu.memref_slice %arg4[%add3A, %add3A_56, %dma_wait3A_224, %dma_wait3A_225, %dma_wait3A_226] : memref<32x20x10x128x32xf32, #tpu.memory_space<hbm>> -> memref<1x1x10x128x32xf32, #tpu.memory_space<hbm>>
      %dma_wait3A_228 = tpu.memref_squeeze %dma_wait3A_227 : memref<1x1x10x128x32xf32, #tpu.memory_space<hbm>> -> memref<10x128x32xf32, #tpu.memory_space<hbm>>
      %dma_wait3A_229 = arith.constant 0 : i32
      %dma_wait3A_230 = arith.constant 0 : i32
      %dma_wait3A_231 = arith.constant 0 : i32
      %dma_wait3A_232 = tpu.memref_slice %arg6[%dma_wait3A_218, %dma_wait3A_229, %dma_wait3A_230, %dma_wait3A_231] : memref<2x10x128x32xf32, #tpu.memory_space<vmem>> -> memref<1x10x128x32xf32, #tpu.memory_space<vmem>>
      %dma_wait3A_233 = tpu.memref_squeeze %dma_wait3A_232 : memref<1x10x128x32xf32, #tpu.memory_space<vmem>> -> memref<10x128x32xf32, #tpu.memory_space<vmem>>
      %dma_wait3A_234 = arith.constant 0 : i32
      %dma_wait3A_235 = arith.constant 0 : i32
      %dma_wait3A_236 = arith.constant 0 : i32
      %dma_wait3A_237 = tpu.memref_slice %arg4[%add3A, %add3A_56, %dma_wait3A_234, %dma_wait3A_235, %dma_wait3A_236] : memref<32x20x10x128x32xf32, #tpu.memory_space<hbm>> -> memref<1x1x10x128x32xf32, #tpu.memory_space<hbm>>
      %dma_wait3A_238 = tpu.memref_squeeze %dma_wait3A_237 : memref<1x1x10x128x32xf32, #tpu.memory_space<hbm>> -> memref<10x128x32xf32, #tpu.memory_space<hbm>>
      tpu.wait_dma2 semaphore(%arg7 : memref<!tpu.dma_semaphore, #tpu.memory_space<semaphore_mem>>) src(%dma_wait3A_238 : memref<10x128x32xf32, #tpu.memory_space<hbm>>) dst(%dma_wait3A_233 : memref<10x128x32xf32, #tpu.memory_space<vmem>>)
      %dma_start3A_239 = arith.constant 0 : i32
      %dma_start3A_240 = arith.constant 0 : i32
      %dma_start3A_241 = arith.constant 0 : i32
      %dma_start3A_242 = arith.constant 0 : i32
      %dma_start3A_243 = tpu.memref_slice %arg6[%dma_start3A_239, %dma_start3A_240, %dma_start3A_241, %dma_start3A_242] : memref<2x10x128x32xf32, #tpu.memory_space<vmem>> -> memref<1x10x128x32xf32, #tpu.memory_space<vmem>>
      %dma_start3A_244 = tpu.memref_squeeze %dma_start3A_243 : memref<1x10x128x32xf32, #tpu.memory_space<vmem>> -> memref<10x128x32xf32, #tpu.memory_space<vmem>>
      %dma_start3A_245 = arith.constant 0 : i32
      %dma_start3A_246 = arith.constant 0 : i32
      %dma_start3A_247 = arith.constant 0 : i32
      %dma_start3A_248 = tpu.memref_slice %arg4[%add3A, %add3A_56, %dma_start3A_245, %dma_start3A_246, %dma_start3A_247] : memref<32x20x10x128x32xf32, #tpu.memory_space<hbm>> -> memref<1x1x10x128x32xf32, #tpu.memory_space<hbm>>
      %dma_start3A_249 = tpu.memref_squeeze %dma_start3A_248 : memref<1x1x10x128x32xf32, #tpu.memory_space<hbm>> -> memref<10x128x32xf32, #tpu.memory_space<hbm>>
      %dma_start3A_250 = arith.constant 0 : i32
      %dma_start3A_251 = arith.constant 0 : i32
      %dma_start3A_252 = arith.constant 0 : i32
      %dma_start3A_253 = tpu.memref_slice %arg4[%add3A, %add3A_56, %dma_start3A_250, %dma_start3A_251, %dma_start3A_252] : memref<32x20x10x128x32xf32, #tpu.memory_space<hbm>> -> memref<1x1x10x128x32xf32, #tpu.memory_space<hbm>>
      %dma_start3A_254 = tpu.memref_squeeze %dma_start3A_253 : memref<1x1x10x128x32xf32, #tpu.memory_space<hbm>> -> memref<10x128x32xf32, #tpu.memory_space<hbm>>
      %dma_start3A_255 = arith.constant 0 : i32
      %dma_start3A_256 = arith.constant 0 : i32
      %dma_start3A_257 = arith.constant 0 : i32
      %dma_start3A_258 = tpu.memref_slice %arg6[%dma_start3A_239, %dma_start3A_255, %dma_start3A_256, %dma_start3A_257] : memref<2x10x128x32xf32, #tpu.memory_space<vmem>> -> memref<1x10x128x32xf32, #tpu.memory_space<vmem>>
      %dma_start3A_259 = tpu.memref_squeeze %dma_start3A_258 : memref<1x10x128x32xf32, #tpu.memory_space<vmem>> -> memref<10x128x32xf32, #tpu.memory_space<vmem>>
      tpu.enqueue_dma source(%dma_start3A_259 : memref<10x128x32xf32, #tpu.memory_space<vmem>>) target(%dma_start3A_254 : memref<10x128x32xf32, #tpu.memory_space<hbm>>) target_semaphore(%arg8 : memref<!tpu.dma_semaphore, #tpu.memory_space<semaphore_mem>>)
      %mul3A_260 = arith.constant 2 : i32
      %mul3A_261 = arith.muli %add3A_52, %mul3A_260 : i32
      %add3A_262 = arith.constant 1 : i32
      %add3A_263 = arith.addi %mul3A_261, %add3A_262 : i32
      %ge3A_264 = arith.constant 2 : i32
      %ge3A_265 = arith.cmpi sge, %add3A_263, %ge3A_264 : i32
      %convert_element_type3A_266 = arith.extui %ge3A_265 : i1 to i32
      %cond3A_267 = arith.constant 0 : i32
      %cond3A_268 = arith.cmpi ne, %convert_element_type3A_266, %cond3A_267 : i32
      scf.if %cond3A_268 {
        %sub3A = arith.constant 2 : i32
        %sub3A_471 = arith.subi %add3A_263, %sub3A : i32
        %dma_wait3A_472 = arith.constant 1 : i32
        %dma_wait3A_473 = arith.constant 0 : i32
        %dma_wait3A_474 = arith.constant 0 : i32
        %dma_wait3A_475 = arith.constant 0 : i32
        %dma_wait3A_476 = tpu.memref_slice %arg6[%dma_wait3A_472, %dma_wait3A_473, %dma_wait3A_474, %dma_wait3A_475] : memref<2x10x128x32xf32, #tpu.memory_space<vmem>> -> memref<1x10x128x32xf32, #tpu.memory_space<vmem>>
        %dma_wait3A_477 = tpu.memref_squeeze %dma_wait3A_476 : memref<1x10x128x32xf32, #tpu.memory_space<vmem>> -> memref<10x128x32xf32, #tpu.memory_space<vmem>>
        %dma_wait3A_478 = arith.constant 0 : i32
        %dma_wait3A_479 = arith.constant 0 : i32
        %dma_wait3A_480 = arith.constant 0 : i32
        %dma_wait3A_481 = tpu.memref_slice %arg4[%add3A, %sub3A_471, %dma_wait3A_478, %dma_wait3A_479, %dma_wait3A_480] : memref<32x20x10x128x32xf32, #tpu.memory_space<hbm>> -> memref<1x1x10x128x32xf32, #tpu.memory_space<hbm>>
        %dma_wait3A_482 = tpu.memref_squeeze %dma_wait3A_481 : memref<1x1x10x128x32xf32, #tpu.memory_space<hbm>> -> memref<10x128x32xf32, #tpu.memory_space<hbm>>
        %dma_wait3A_483 = arith.constant 0 : i32
        %dma_wait3A_484 = arith.constant 0 : i32
        %dma_wait3A_485 = arith.constant 0 : i32
        %dma_wait3A_486 = tpu.memref_slice %arg4[%add3A, %sub3A_471, %dma_wait3A_483, %dma_wait3A_484, %dma_wait3A_485] : memref<32x20x10x128x32xf32, #tpu.memory_space<hbm>> -> memref<1x1x10x128x32xf32, #tpu.memory_space<hbm>>
        %dma_wait3A_487 = tpu.memref_squeeze %dma_wait3A_486 : memref<1x1x10x128x32xf32, #tpu.memory_space<hbm>> -> memref<10x128x32xf32, #tpu.memory_space<hbm>>
        %dma_wait3A_488 = arith.constant 0 : i32
        %dma_wait3A_489 = arith.constant 0 : i32
        %dma_wait3A_490 = arith.constant 0 : i32
        %dma_wait3A_491 = tpu.memref_slice %arg6[%dma_wait3A_472, %dma_wait3A_488, %dma_wait3A_489, %dma_wait3A_490] : memref<2x10x128x32xf32, #tpu.memory_space<vmem>> -> memref<1x10x128x32xf32, #tpu.memory_space<vmem>>
        %dma_wait3A_492 = tpu.memref_squeeze %dma_wait3A_491 : memref<1x10x128x32xf32, #tpu.memory_space<vmem>> -> memref<10x128x32xf32, #tpu.memory_space<vmem>>
        tpu.wait_dma2 semaphore(%arg9 : memref<!tpu.dma_semaphore, #tpu.memory_space<semaphore_mem>>) src(%dma_wait3A_492 : memref<10x128x32xf32, #tpu.memory_space<vmem>>) dst(%dma_wait3A_487 : memref<10x128x32xf32, #tpu.memory_space<hbm>>)
      } else {
      }
      %mul3A_269 = arith.constant 10 : i32
      %mul3A_270 = arith.muli %add3A_263, %mul3A_269 : i32
      %add3A_271 = arith.constant 0 : i32
      %add3A_272 = arith.addi %mul3A_270, %add3A_271 : i32
      %dma_start3A_273 = arith.constant 1 : i32
      %dma_start3A_274 = arith.constant 0 : i32
      %dma_start3A_275 = arith.constant 0 : i32
      %dma_start3A_276 = arith.constant 0 : i32
      %dma_start3A_277 = tpu.memref_slice %arg6[%dma_start3A_273, %dma_start3A_274, %dma_start3A_275, %dma_start3A_276] : memref<2x10x128x32xf32, #tpu.memory_space<vmem>> -> memref<1x1x128x32xf32, #tpu.memory_space<vmem>>
      %dma_start3A_278 = tpu.memref_squeeze %dma_start3A_277 : memref<1x1x128x32xf32, #tpu.memory_space<vmem>> -> memref<128x32xf32, #tpu.memory_space<vmem>>
      %dma_start3A_279 = arith.constant 0 : i32
      %dma_start3A_280 = tpu.memref_slice %arg5[%add3A_272, %dma_start3A_279] : memref<200x128xi32, #tpu.memory_space<vmem>> -> memref<1x128xi32, #tpu.memory_space<vmem>>
      %dma_start3A_281 = tpu.memref_squeeze %dma_start3A_280 : memref<1x128xi32, #tpu.memory_space<vmem>> -> memref<128xi32, #tpu.memory_space<vmem>>
      %dma_start3A_282 = arith.constant 0 : i32
      %dma_start3A_283 = arith.constant 0 : i32
      %dma_start3A_284 = tpu.memref_slice %arg3[%dma_start3A_282, %dma_start3A_283] : memref<1000000x32xf32, #tpu.memory_space<hbm>> -> memref<1000000x32xf32, #tpu.memory_space<hbm>>
      tpu.enqueue_indirect_dma source(%dma_start3A_284 : memref<1000000x32xf32, #tpu.memory_space<hbm>>) target(%dma_start3A_278 : memref<128x32xf32, #tpu.memory_space<vmem>>) offsets(%dma_start3A_281 : memref<128xi32, #tpu.memory_space<vmem>>) semaphore(%arg7 : memref<!tpu.dma_semaphore, #tpu.memory_space<semaphore_mem>>)
      %mul3A_285 = arith.constant 10 : i32
      %mul3A_286 = arith.muli %add3A_263, %mul3A_285 : i32
      %add3A_287 = arith.constant 1 : i32
      %add3A_288 = arith.addi %mul3A_286, %add3A_287 : i32
      %dma_start3A_289 = arith.constant 1 : i32
      %dma_start3A_290 = arith.constant 1 : i32
      %dma_start3A_291 = arith.constant 0 : i32
      %dma_start3A_292 = arith.constant 0 : i32
      %dma_start3A_293 = tpu.memref_slice %arg6[%dma_start3A_289, %dma_start3A_290, %dma_start3A_291, %dma_start3A_292] : memref<2x10x128x32xf32, #tpu.memory_space<vmem>> -> memref<1x1x128x32xf32, #tpu.memory_space<vmem>>
      %dma_start3A_294 = tpu.memref_squeeze %dma_start3A_293 : memref<1x1x128x32xf32, #tpu.memory_space<vmem>> -> memref<128x32xf32, #tpu.memory_space<vmem>>
      %dma_start3A_295 = arith.constant 0 : i32
      %dma_start3A_296 = tpu.memref_slice %arg5[%add3A_288, %dma_start3A_295] : memref<200x128xi32, #tpu.memory_space<vmem>> -> memref<1x128xi32, #tpu.memory_space<vmem>>
      %dma_start3A_297 = tpu.memref_squeeze %dma_start3A_296 : memref<1x128xi32, #tpu.memory_space<vmem>> -> memref<128xi32, #tpu.memory_space<vmem>>
      %dma_start3A_298 = arith.constant 0 : i32
      %dma_start3A_299 = arith.constant 0 : i32
      %dma_start3A_300 = tpu.memref_slice %arg3[%dma_start3A_298, %dma_start3A_299] : memref<1000000x32xf32, #tpu.memory_space<hbm>> -> memref<1000000x32xf32, #tpu.memory_space<hbm>>
      tpu.enqueue_indirect_dma source(%dma_start3A_300 : memref<1000000x32xf32, #tpu.memory_space<hbm>>) target(%dma_start3A_294 : memref<128x32xf32, #tpu.memory_space<vmem>>) offsets(%dma_start3A_297 : memref<128xi32, #tpu.memory_space<vmem>>) semaphore(%arg7 : memref<!tpu.dma_semaphore, #tpu.memory_space<semaphore_mem>>)
      %mul3A_301 = arith.constant 10 : i32
      %mul3A_302 = arith.muli %add3A_263, %mul3A_301 : i32
      %add3A_303 = arith.constant 2 : i32
      %add3A_304 = arith.addi %mul3A_302, %add3A_303 : i32
      %dma_start3A_305 = arith.constant 1 : i32
      %dma_start3A_306 = arith.constant 2 : i32
      %dma_start3A_307 = arith.constant 0 : i32
      %dma_start3A_308 = arith.constant 0 : i32
      %dma_start3A_309 = tpu.memref_slice %arg6[%dma_start3A_305, %dma_start3A_306, %dma_start3A_307, %dma_start3A_308] : memref<2x10x128x32xf32, #tpu.memory_space<vmem>> -> memref<1x1x128x32xf32, #tpu.memory_space<vmem>>
      %dma_start3A_310 = tpu.memref_squeeze %dma_start3A_309 : memref<1x1x128x32xf32, #tpu.memory_space<vmem>> -> memref<128x32xf32, #tpu.memory_space<vmem>>
      %dma_start3A_311 = arith.constant 0 : i32
      %dma_start3A_312 = tpu.memref_slice %arg5[%add3A_304, %dma_start3A_311] : memref<200x128xi32, #tpu.memory_space<vmem>> -> memref<1x128xi32, #tpu.memory_space<vmem>>
      %dma_start3A_313 = tpu.memref_squeeze %dma_start3A_312 : memref<1x128xi32, #tpu.memory_space<vmem>> -> memref<128xi32, #tpu.memory_space<vmem>>
      %dma_start3A_314 = arith.constant 0 : i32
      %dma_start3A_315 = arith.constant 0 : i32
      %dma_start3A_316 = tpu.memref_slice %arg3[%dma_start3A_314, %dma_start3A_315] : memref<1000000x32xf32, #tpu.memory_space<hbm>> -> memref<1000000x32xf32, #tpu.memory_space<hbm>>
      tpu.enqueue_indirect_dma source(%dma_start3A_316 : memref<1000000x32xf32, #tpu.memory_space<hbm>>) target(%dma_start3A_310 : memref<128x32xf32, #tpu.memory_space<vmem>>) offsets(%dma_start3A_313 : memref<128xi32, #tpu.memory_space<vmem>>) semaphore(%arg7 : memref<!tpu.dma_semaphore, #tpu.memory_space<semaphore_mem>>)
      %mul3A_317 = arith.constant 10 : i32
      %mul3A_318 = arith.muli %add3A_263, %mul3A_317 : i32
      %add3A_319 = arith.constant 3 : i32
      %add3A_320 = arith.addi %mul3A_318, %add3A_319 : i32
      %dma_start3A_321 = arith.constant 1 : i32
      %dma_start3A_322 = arith.constant 3 : i32
      %dma_start3A_323 = arith.constant 0 : i32
      %dma_start3A_324 = arith.constant 0 : i32
      %dma_start3A_325 = tpu.memref_slice %arg6[%dma_start3A_321, %dma_start3A_322, %dma_start3A_323, %dma_start3A_324] : memref<2x10x128x32xf32, #tpu.memory_space<vmem>> -> memref<1x1x128x32xf32, #tpu.memory_space<vmem>>
      %dma_start3A_326 = tpu.memref_squeeze %dma_start3A_325 : memref<1x1x128x32xf32, #tpu.memory_space<vmem>> -> memref<128x32xf32, #tpu.memory_space<vmem>>
      %dma_start3A_327 = arith.constant 0 : i32
      %dma_start3A_328 = tpu.memref_slice %arg5[%add3A_320, %dma_start3A_327] : memref<200x128xi32, #tpu.memory_space<vmem>> -> memref<1x128xi32, #tpu.memory_space<vmem>>
      %dma_start3A_329 = tpu.memref_squeeze %dma_start3A_328 : memref<1x128xi32, #tpu.memory_space<vmem>> -> memref<128xi32, #tpu.memory_space<vmem>>
      %dma_start3A_330 = arith.constant 0 : i32
      %dma_start3A_331 = arith.constant 0 : i32
      %dma_start3A_332 = tpu.memref_slice %arg3[%dma_start3A_330, %dma_start3A_331] : memref<1000000x32xf32, #tpu.memory_space<hbm>> -> memref<1000000x32xf32, #tpu.memory_space<hbm>>
      tpu.enqueue_indirect_dma source(%dma_start3A_332 : memref<1000000x32xf32, #tpu.memory_space<hbm>>) target(%dma_start3A_326 : memref<128x32xf32, #tpu.memory_space<vmem>>) offsets(%dma_start3A_329 : memref<128xi32, #tpu.memory_space<vmem>>) semaphore(%arg7 : memref<!tpu.dma_semaphore, #tpu.memory_space<semaphore_mem>>)
      %mul3A_333 = arith.constant 10 : i32
      %mul3A_334 = arith.muli %add3A_263, %mul3A_333 : i32
      %add3A_335 = arith.constant 4 : i32
      %add3A_336 = arith.addi %mul3A_334, %add3A_335 : i32
      %dma_start3A_337 = arith.constant 1 : i32
      %dma_start3A_338 = arith.constant 4 : i32
      %dma_start3A_339 = arith.constant 0 : i32
      %dma_start3A_340 = arith.constant 0 : i32
      %dma_start3A_341 = tpu.memref_slice %arg6[%dma_start3A_337, %dma_start3A_338, %dma_start3A_339, %dma_start3A_340] : memref<2x10x128x32xf32, #tpu.memory_space<vmem>> -> memref<1x1x128x32xf32, #tpu.memory_space<vmem>>
      %dma_start3A_342 = tpu.memref_squeeze %dma_start3A_341 : memref<1x1x128x32xf32, #tpu.memory_space<vmem>> -> memref<128x32xf32, #tpu.memory_space<vmem>>
      %dma_start3A_343 = arith.constant 0 : i32
      %dma_start3A_344 = tpu.memref_slice %arg5[%add3A_336, %dma_start3A_343] : memref<200x128xi32, #tpu.memory_space<vmem>> -> memref<1x128xi32, #tpu.memory_space<vmem>>
      %dma_start3A_345 = tpu.memref_squeeze %dma_start3A_344 : memref<1x128xi32, #tpu.memory_space<vmem>> -> memref<128xi32, #tpu.memory_space<vmem>>
      %dma_start3A_346 = arith.constant 0 : i32
      %dma_start3A_347 = arith.constant 0 : i32
      %dma_start3A_348 = tpu.memref_slice %arg3[%dma_start3A_346, %dma_start3A_347] : memref<1000000x32xf32, #tpu.memory_space<hbm>> -> memref<1000000x32xf32, #tpu.memory_space<hbm>>
      tpu.enqueue_indirect_dma source(%dma_start3A_348 : memref<1000000x32xf32, #tpu.memory_space<hbm>>) target(%dma_start3A_342 : memref<128x32xf32, #tpu.memory_space<vmem>>) offsets(%dma_start3A_345 : memref<128xi32, #tpu.memory_space<vmem>>) semaphore(%arg7 : memref<!tpu.dma_semaphore, #tpu.memory_space<semaphore_mem>>)
      %mul3A_349 = arith.constant 10 : i32
      %mul3A_350 = arith.muli %add3A_263, %mul3A_349 : i32
      %add3A_351 = arith.constant 5 : i32
      %add3A_352 = arith.addi %mul3A_350, %add3A_351 : i32
      %dma_start3A_353 = arith.constant 1 : i32
      %dma_start3A_354 = arith.constant 5 : i32
      %dma_start3A_355 = arith.constant 0 : i32
      %dma_start3A_356 = arith.constant 0 : i32
      %dma_start3A_357 = tpu.memref_slice %arg6[%dma_start3A_353, %dma_start3A_354, %dma_start3A_355, %dma_start3A_356] : memref<2x10x128x32xf32, #tpu.memory_space<vmem>> -> memref<1x1x128x32xf32, #tpu.memory_space<vmem>>
      %dma_start3A_358 = tpu.memref_squeeze %dma_start3A_357 : memref<1x1x128x32xf32, #tpu.memory_space<vmem>> -> memref<128x32xf32, #tpu.memory_space<vmem>>
      %dma_start3A_359 = arith.constant 0 : i32
      %dma_start3A_360 = tpu.memref_slice %arg5[%add3A_352, %dma_start3A_359] : memref<200x128xi32, #tpu.memory_space<vmem>> -> memref<1x128xi32, #tpu.memory_space<vmem>>
      %dma_start3A_361 = tpu.memref_squeeze %dma_start3A_360 : memref<1x128xi32, #tpu.memory_space<vmem>> -> memref<128xi32, #tpu.memory_space<vmem>>
      %dma_start3A_362 = arith.constant 0 : i32
      %dma_start3A_363 = arith.constant 0 : i32
      %dma_start3A_364 = tpu.memref_slice %arg3[%dma_start3A_362, %dma_start3A_363] : memref<1000000x32xf32, #tpu.memory_space<hbm>> -> memref<1000000x32xf32, #tpu.memory_space<hbm>>
      tpu.enqueue_indirect_dma source(%dma_start3A_364 : memref<1000000x32xf32, #tpu.memory_space<hbm>>) target(%dma_start3A_358 : memref<128x32xf32, #tpu.memory_space<vmem>>) offsets(%dma_start3A_361 : memref<128xi32, #tpu.memory_space<vmem>>) semaphore(%arg7 : memref<!tpu.dma_semaphore, #tpu.memory_space<semaphore_mem>>)
      %mul3A_365 = arith.constant 10 : i32
      %mul3A_366 = arith.muli %add3A_263, %mul3A_365 : i32
      %add3A_367 = arith.constant 6 : i32
      %add3A_368 = arith.addi %mul3A_366, %add3A_367 : i32
      %dma_start3A_369 = arith.constant 1 : i32
      %dma_start3A_370 = arith.constant 6 : i32
      %dma_start3A_371 = arith.constant 0 : i32
      %dma_start3A_372 = arith.constant 0 : i32
      %dma_start3A_373 = tpu.memref_slice %arg6[%dma_start3A_369, %dma_start3A_370, %dma_start3A_371, %dma_start3A_372] : memref<2x10x128x32xf32, #tpu.memory_space<vmem>> -> memref<1x1x128x32xf32, #tpu.memory_space<vmem>>
      %dma_start3A_374 = tpu.memref_squeeze %dma_start3A_373 : memref<1x1x128x32xf32, #tpu.memory_space<vmem>> -> memref<128x32xf32, #tpu.memory_space<vmem>>
      %dma_start3A_375 = arith.constant 0 : i32
      %dma_start3A_376 = tpu.memref_slice %arg5[%add3A_368, %dma_start3A_375] : memref<200x128xi32, #tpu.memory_space<vmem>> -> memref<1x128xi32, #tpu.memory_space<vmem>>
      %dma_start3A_377 = tpu.memref_squeeze %dma_start3A_376 : memref<1x128xi32, #tpu.memory_space<vmem>> -> memref<128xi32, #tpu.memory_space<vmem>>
      %dma_start3A_378 = arith.constant 0 : i32
      %dma_start3A_379 = arith.constant 0 : i32
      %dma_start3A_380 = tpu.memref_slice %arg3[%dma_start3A_378, %dma_start3A_379] : memref<1000000x32xf32, #tpu.memory_space<hbm>> -> memref<1000000x32xf32, #tpu.memory_space<hbm>>
      tpu.enqueue_indirect_dma source(%dma_start3A_380 : memref<1000000x32xf32, #tpu.memory_space<hbm>>) target(%dma_start3A_374 : memref<128x32xf32, #tpu.memory_space<vmem>>) offsets(%dma_start3A_377 : memref<128xi32, #tpu.memory_space<vmem>>) semaphore(%arg7 : memref<!tpu.dma_semaphore, #tpu.memory_space<semaphore_mem>>)
      %mul3A_381 = arith.constant 10 : i32
      %mul3A_382 = arith.muli %add3A_263, %mul3A_381 : i32
      %add3A_383 = arith.constant 7 : i32
      %add3A_384 = arith.addi %mul3A_382, %add3A_383 : i32
      %dma_start3A_385 = arith.constant 1 : i32
      %dma_start3A_386 = arith.constant 7 : i32
      %dma_start3A_387 = arith.constant 0 : i32
      %dma_start3A_388 = arith.constant 0 : i32
      %dma_start3A_389 = tpu.memref_slice %arg6[%dma_start3A_385, %dma_start3A_386, %dma_start3A_387, %dma_start3A_388] : memref<2x10x128x32xf32, #tpu.memory_space<vmem>> -> memref<1x1x128x32xf32, #tpu.memory_space<vmem>>
      %dma_start3A_390 = tpu.memref_squeeze %dma_start3A_389 : memref<1x1x128x32xf32, #tpu.memory_space<vmem>> -> memref<128x32xf32, #tpu.memory_space<vmem>>
      %dma_start3A_391 = arith.constant 0 : i32
      %dma_start3A_392 = tpu.memref_slice %arg5[%add3A_384, %dma_start3A_391] : memref<200x128xi32, #tpu.memory_space<vmem>> -> memref<1x128xi32, #tpu.memory_space<vmem>>
      %dma_start3A_393 = tpu.memref_squeeze %dma_start3A_392 : memref<1x128xi32, #tpu.memory_space<vmem>> -> memref<128xi32, #tpu.memory_space<vmem>>
      %dma_start3A_394 = arith.constant 0 : i32
      %dma_start3A_395 = arith.constant 0 : i32
      %dma_start3A_396 = tpu.memref_slice %arg3[%dma_start3A_394, %dma_start3A_395] : memref<1000000x32xf32, #tpu.memory_space<hbm>> -> memref<1000000x32xf32, #tpu.memory_space<hbm>>
      tpu.enqueue_indirect_dma source(%dma_start3A_396 : memref<1000000x32xf32, #tpu.memory_space<hbm>>) target(%dma_start3A_390 : memref<128x32xf32, #tpu.memory_space<vmem>>) offsets(%dma_start3A_393 : memref<128xi32, #tpu.memory_space<vmem>>) semaphore(%arg7 : memref<!tpu.dma_semaphore, #tpu.memory_space<semaphore_mem>>)
      %mul3A_397 = arith.constant 10 : i32
      %mul3A_398 = arith.muli %add3A_263, %mul3A_397 : i32
      %add3A_399 = arith.constant 8 : i32
      %add3A_400 = arith.addi %mul3A_398, %add3A_399 : i32
      %dma_start3A_401 = arith.constant 1 : i32
      %dma_start3A_402 = arith.constant 8 : i32
      %dma_start3A_403 = arith.constant 0 : i32
      %dma_start3A_404 = arith.constant 0 : i32
      %dma_start3A_405 = tpu.memref_slice %arg6[%dma_start3A_401, %dma_start3A_402, %dma_start3A_403, %dma_start3A_404] : memref<2x10x128x32xf32, #tpu.memory_space<vmem>> -> memref<1x1x128x32xf32, #tpu.memory_space<vmem>>
      %dma_start3A_406 = tpu.memref_squeeze %dma_start3A_405 : memref<1x1x128x32xf32, #tpu.memory_space<vmem>> -> memref<128x32xf32, #tpu.memory_space<vmem>>
      %dma_start3A_407 = arith.constant 0 : i32
      %dma_start3A_408 = tpu.memref_slice %arg5[%add3A_400, %dma_start3A_407] : memref<200x128xi32, #tpu.memory_space<vmem>> -> memref<1x128xi32, #tpu.memory_space<vmem>>
      %dma_start3A_409 = tpu.memref_squeeze %dma_start3A_408 : memref<1x128xi32, #tpu.memory_space<vmem>> -> memref<128xi32, #tpu.memory_space<vmem>>
      %dma_start3A_410 = arith.constant 0 : i32
      %dma_start3A_411 = arith.constant 0 : i32
      %dma_start3A_412 = tpu.memref_slice %arg3[%dma_start3A_410, %dma_start3A_411] : memref<1000000x32xf32, #tpu.memory_space<hbm>> -> memref<1000000x32xf32, #tpu.memory_space<hbm>>
      tpu.enqueue_indirect_dma source(%dma_start3A_412 : memref<1000000x32xf32, #tpu.memory_space<hbm>>) target(%dma_start3A_406 : memref<128x32xf32, #tpu.memory_space<vmem>>) offsets(%dma_start3A_409 : memref<128xi32, #tpu.memory_space<vmem>>) semaphore(%arg7 : memref<!tpu.dma_semaphore, #tpu.memory_space<semaphore_mem>>)
      %mul3A_413 = arith.constant 10 : i32
      %mul3A_414 = arith.muli %add3A_263, %mul3A_413 : i32
      %add3A_415 = arith.constant 9 : i32
      %add3A_416 = arith.addi %mul3A_414, %add3A_415 : i32
      %dma_start3A_417 = arith.constant 1 : i32
      %dma_start3A_418 = arith.constant 9 : i32
      %dma_start3A_419 = arith.constant 0 : i32
      %dma_start3A_420 = arith.constant 0 : i32
      %dma_start3A_421 = tpu.memref_slice %arg6[%dma_start3A_417, %dma_start3A_418, %dma_start3A_419, %dma_start3A_420] : memref<2x10x128x32xf32, #tpu.memory_space<vmem>> -> memref<1x1x128x32xf32, #tpu.memory_space<vmem>>
      %dma_start3A_422 = tpu.memref_squeeze %dma_start3A_421 : memref<1x1x128x32xf32, #tpu.memory_space<vmem>> -> memref<128x32xf32, #tpu.memory_space<vmem>>
      %dma_start3A_423 = arith.constant 0 : i32
      %dma_start3A_424 = tpu.memref_slice %arg5[%add3A_416, %dma_start3A_423] : memref<200x128xi32, #tpu.memory_space<vmem>> -> memref<1x128xi32, #tpu.memory_space<vmem>>
      %dma_start3A_425 = tpu.memref_squeeze %dma_start3A_424 : memref<1x128xi32, #tpu.memory_space<vmem>> -> memref<128xi32, #tpu.memory_space<vmem>>
      %dma_start3A_426 = arith.constant 0 : i32
      %dma_start3A_427 = arith.constant 0 : i32
      %dma_start3A_428 = tpu.memref_slice %arg3[%dma_start3A_426, %dma_start3A_427] : memref<1000000x32xf32, #tpu.memory_space<hbm>> -> memref<1000000x32xf32, #tpu.memory_space<hbm>>
      tpu.enqueue_indirect_dma source(%dma_start3A_428 : memref<1000000x32xf32, #tpu.memory_space<hbm>>) target(%dma_start3A_422 : memref<128x32xf32, #tpu.memory_space<vmem>>) offsets(%dma_start3A_425 : memref<128xi32, #tpu.memory_space<vmem>>) semaphore(%arg7 : memref<!tpu.dma_semaphore, #tpu.memory_space<semaphore_mem>>)
      %dma_wait3A_429 = arith.constant 1 : i32
      %dma_wait3A_430 = arith.constant 0 : i32
      %dma_wait3A_431 = arith.constant 0 : i32
      %dma_wait3A_432 = arith.constant 0 : i32
      %dma_wait3A_433 = tpu.memref_slice %arg6[%dma_wait3A_429, %dma_wait3A_430, %dma_wait3A_431, %dma_wait3A_432] : memref<2x10x128x32xf32, #tpu.memory_space<vmem>> -> memref<1x10x128x32xf32, #tpu.memory_space<vmem>>
      %dma_wait3A_434 = tpu.memref_squeeze %dma_wait3A_433 : memref<1x10x128x32xf32, #tpu.memory_space<vmem>> -> memref<10x128x32xf32, #tpu.memory_space<vmem>>
      %dma_wait3A_435 = arith.constant 0 : i32
      %dma_wait3A_436 = arith.constant 0 : i32
      %dma_wait3A_437 = arith.constant 0 : i32
      %dma_wait3A_438 = tpu.memref_slice %arg4[%add3A, %add3A_263, %dma_wait3A_435, %dma_wait3A_436, %dma_wait3A_437] : memref<32x20x10x128x32xf32, #tpu.memory_space<hbm>> -> memref<1x1x10x128x32xf32, #tpu.memory_space<hbm>>
      %dma_wait3A_439 = tpu.memref_squeeze %dma_wait3A_438 : memref<1x1x10x128x32xf32, #tpu.memory_space<hbm>> -> memref<10x128x32xf32, #tpu.memory_space<hbm>>
      %dma_wait3A_440 = arith.constant 0 : i32
      %dma_wait3A_441 = arith.constant 0 : i32
      %dma_wait3A_442 = arith.constant 0 : i32
      %dma_wait3A_443 = tpu.memref_slice %arg6[%dma_wait3A_429, %dma_wait3A_440, %dma_wait3A_441, %dma_wait3A_442] : memref<2x10x128x32xf32, #tpu.memory_space<vmem>> -> memref<1x10x128x32xf32, #tpu.memory_space<vmem>>
      %dma_wait3A_444 = tpu.memref_squeeze %dma_wait3A_443 : memref<1x10x128x32xf32, #tpu.memory_space<vmem>> -> memref<10x128x32xf32, #tpu.memory_space<vmem>>
      %dma_wait3A_445 = arith.constant 0 : i32
      %dma_wait3A_446 = arith.constant 0 : i32
      %dma_wait3A_447 = arith.constant 0 : i32
      %dma_wait3A_448 = tpu.memref_slice %arg4[%add3A, %add3A_263, %dma_wait3A_445, %dma_wait3A_446, %dma_wait3A_447] : memref<32x20x10x128x32xf32, #tpu.memory_space<hbm>> -> memref<1x1x10x128x32xf32, #tpu.memory_space<hbm>>
      %dma_wait3A_449 = tpu.memref_squeeze %dma_wait3A_448 : memref<1x1x10x128x32xf32, #tpu.memory_space<hbm>> -> memref<10x128x32xf32, #tpu.memory_space<hbm>>
      tpu.wait_dma2 semaphore(%arg7 : memref<!tpu.dma_semaphore, #tpu.memory_space<semaphore_mem>>) src(%dma_wait3A_449 : memref<10x128x32xf32, #tpu.memory_space<hbm>>) dst(%dma_wait3A_444 : memref<10x128x32xf32, #tpu.memory_space<vmem>>)
      %dma_start3A_450 = arith.constant 1 : i32
      %dma_start3A_451 = arith.constant 0 : i32
      %dma_start3A_452 = arith.constant 0 : i32
      %dma_start3A_453 = arith.constant 0 : i32
      %dma_start3A_454 = tpu.memref_slice %arg6[%dma_start3A_450, %dma_start3A_451, %dma_start3A_452, %dma_start3A_453] : memref<2x10x128x32xf32, #tpu.memory_space<vmem>> -> memref<1x10x128x32xf32, #tpu.memory_space<vmem>>
      %dma_start3A_455 = tpu.memref_squeeze %dma_start3A_454 : memref<1x10x128x32xf32, #tpu.memory_space<vmem>> -> memref<10x128x32xf32, #tpu.memory_space<vmem>>
      %dma_start3A_456 = arith.constant 0 : i32
      %dma_start3A_457 = arith.constant 0 : i32
      %dma_start3A_458 = arith.constant 0 : i32
      %dma_start3A_459 = tpu.memref_slice %arg4[%add3A, %add3A_263, %dma_start3A_456, %dma_start3A_457, %dma_start3A_458] : memref<32x20x10x128x32xf32, #tpu.memory_space<hbm>> -> memref<1x1x10x128x32xf32, #tpu.memory_space<hbm>>
      %dma_start3A_460 = tpu.memref_squeeze %dma_start3A_459 : memref<1x1x10x128x32xf32, #tpu.memory_space<hbm>> -> memref<10x128x32xf32, #tpu.memory_space<hbm>>
      %dma_start3A_461 = arith.constant 0 : i32
      %dma_start3A_462 = arith.constant 0 : i32
      %dma_start3A_463 = arith.constant 0 : i32
      %dma_start3A_464 = tpu.memref_slice %arg4[%add3A, %add3A_263, %dma_start3A_461, %dma_start3A_462, %dma_start3A_463] : memref<32x20x10x128x32xf32, #tpu.memory_space<hbm>> -> memref<1x1x10x128x32xf32, #tpu.memory_space<hbm>>
      %dma_start3A_465 = tpu.memref_squeeze %dma_start3A_464 : memref<1x1x10x128x32xf32, #tpu.memory_space<hbm>> -> memref<10x128x32xf32, #tpu.memory_space<hbm>>
      %dma_start3A_466 = arith.constant 0 : i32
      %dma_start3A_467 = arith.constant 0 : i32
      %dma_start3A_468 = arith.constant 0 : i32
      %dma_start3A_469 = tpu.memref_slice %arg6[%dma_start3A_450, %dma_start3A_466, %dma_start3A_467, %dma_start3A_468] : memref<2x10x128x32xf32, #tpu.memory_space<vmem>> -> memref<1x10x128x32xf32, #tpu.memory_space<vmem>>
      %dma_start3A_470 = tpu.memref_squeeze %dma_start3A_469 : memref<1x10x128x32xf32, #tpu.memory_space<vmem>> -> memref<10x128x32xf32, #tpu.memory_space<vmem>>
      tpu.enqueue_dma source(%dma_start3A_470 : memref<10x128x32xf32, #tpu.memory_space<vmem>>) target(%dma_start3A_465 : memref<10x128x32xf32, #tpu.memory_space<hbm>>) target_semaphore(%arg9 : memref<!tpu.dma_semaphore, #tpu.memory_space<semaphore_mem>>)
    }
    %scan3A_4 = arith.constant 10 : i32
    %dma_wait3A = arith.constant 0 : i32
    %dma_wait3A_5 = arith.constant 18 : i32
    %dma_wait3A_6 = arith.constant 0 : i32
    %dma_wait3A_7 = arith.constant 0 : i32
    %dma_wait3A_8 = arith.constant 0 : i32
    %dma_wait3A_9 = tpu.memref_slice %arg6[%dma_wait3A, %dma_wait3A_6, %dma_wait3A_7, %dma_wait3A_8] : memref<2x10x128x32xf32, #tpu.memory_space<vmem>> -> memref<1x10x128x32xf32, #tpu.memory_space<vmem>>
    %dma_wait3A_10 = tpu.memref_squeeze %dma_wait3A_9 : memref<1x10x128x32xf32, #tpu.memory_space<vmem>> -> memref<10x128x32xf32, #tpu.memory_space<vmem>>
    %dma_wait3A_11 = arith.constant 0 : i32
    %dma_wait3A_12 = arith.constant 0 : i32
    %dma_wait3A_13 = arith.constant 0 : i32
    %dma_wait3A_14 = tpu.memref_slice %arg4[%add3A, %dma_wait3A_5, %dma_wait3A_11, %dma_wait3A_12, %dma_wait3A_13] : memref<32x20x10x128x32xf32, #tpu.memory_space<hbm>> -> memref<1x1x10x128x32xf32, #tpu.memory_space<hbm>>
    %dma_wait3A_15 = tpu.memref_squeeze %dma_wait3A_14 : memref<1x1x10x128x32xf32, #tpu.memory_space<hbm>> -> memref<10x128x32xf32, #tpu.memory_space<hbm>>
    %dma_wait3A_16 = arith.constant 0 : i32
    %dma_wait3A_17 = arith.constant 0 : i32
    %dma_wait3A_18 = arith.constant 0 : i32
    %dma_wait3A_19 = tpu.memref_slice %arg4[%add3A, %dma_wait3A_5, %dma_wait3A_16, %dma_wait3A_17, %dma_wait3A_18] : memref<32x20x10x128x32xf32, #tpu.memory_space<hbm>> -> memref<1x1x10x128x32xf32, #tpu.memory_space<hbm>>
    %dma_wait3A_20 = tpu.memref_squeeze %dma_wait3A_19 : memref<1x1x10x128x32xf32, #tpu.memory_space<hbm>> -> memref<10x128x32xf32, #tpu.memory_space<hbm>>
    %dma_wait3A_21 = arith.constant 0 : i32
    %dma_wait3A_22 = arith.constant 0 : i32
    %dma_wait3A_23 = arith.constant 0 : i32
    %dma_wait3A_24 = tpu.memref_slice %arg6[%dma_wait3A, %dma_wait3A_21, %dma_wait3A_22, %dma_wait3A_23] : memref<2x10x128x32xf32, #tpu.memory_space<vmem>> -> memref<1x10x128x32xf32, #tpu.memory_space<vmem>>
    %dma_wait3A_25 = tpu.memref_squeeze %dma_wait3A_24 : memref<1x10x128x32xf32, #tpu.memory_space<vmem>> -> memref<10x128x32xf32, #tpu.memory_space<vmem>>
    tpu.wait_dma2 semaphore(%arg8 : memref<!tpu.dma_semaphore, #tpu.memory_space<semaphore_mem>>) src(%dma_wait3A_25 : memref<10x128x32xf32, #tpu.memory_space<vmem>>) dst(%dma_wait3A_20 : memref<10x128x32xf32, #tpu.memory_space<hbm>>)
    %dma_wait3A_26 = arith.constant 1 : i32
    %dma_wait3A_27 = arith.constant 19 : i32
    %dma_wait3A_28 = arith.constant 0 : i32
    %dma_wait3A_29 = arith.constant 0 : i32
    %dma_wait3A_30 = arith.constant 0 : i32
    %dma_wait3A_31 = tpu.memref_slice %arg6[%dma_wait3A_26, %dma_wait3A_28, %dma_wait3A_29, %dma_wait3A_30] : memref<2x10x128x32xf32, #tpu.memory_space<vmem>> -> memref<1x10x128x32xf32, #tpu.memory_space<vmem>>
    %dma_wait3A_32 = tpu.memref_squeeze %dma_wait3A_31 : memref<1x10x128x32xf32, #tpu.memory_space<vmem>> -> memref<10x128x32xf32, #tpu.memory_space<vmem>>
    %dma_wait3A_33 = arith.constant 0 : i32
    %dma_wait3A_34 = arith.constant 0 : i32
    %dma_wait3A_35 = arith.constant 0 : i32
    %dma_wait3A_36 = tpu.memref_slice %arg4[%add3A, %dma_wait3A_27, %dma_wait3A_33, %dma_wait3A_34, %dma_wait3A_35] : memref<32x20x10x128x32xf32, #tpu.memory_space<hbm>> -> memref<1x1x10x128x32xf32, #tpu.memory_space<hbm>>
    %dma_wait3A_37 = tpu.memref_squeeze %dma_wait3A_36 : memref<1x1x10x128x32xf32, #tpu.memory_space<hbm>> -> memref<10x128x32xf32, #tpu.memory_space<hbm>>
    %dma_wait3A_38 = arith.constant 0 : i32
    %dma_wait3A_39 = arith.constant 0 : i32
    %dma_wait3A_40 = arith.constant 0 : i32
    %dma_wait3A_41 = tpu.memref_slice %arg4[%add3A, %dma_wait3A_27, %dma_wait3A_38, %dma_wait3A_39, %dma_wait3A_40] : memref<32x20x10x128x32xf32, #tpu.memory_space<hbm>> -> memref<1x1x10x128x32xf32, #tpu.memory_space<hbm>>
    %dma_wait3A_42 = tpu.memref_squeeze %dma_wait3A_41 : memref<1x1x10x128x32xf32, #tpu.memory_space<hbm>> -> memref<10x128x32xf32, #tpu.memory_space<hbm>>
    %dma_wait3A_43 = arith.constant 0 : i32
    %dma_wait3A_44 = arith.constant 0 : i32
    %dma_wait3A_45 = arith.constant 0 : i32
    %dma_wait3A_46 = tpu.memref_slice %arg6[%dma_wait3A_26, %dma_wait3A_43, %dma_wait3A_44, %dma_wait3A_45] : memref<2x10x128x32xf32, #tpu.memory_space<vmem>> -> memref<1x10x128x32xf32, #tpu.memory_space<vmem>>
    %dma_wait3A_47 = tpu.memref_squeeze %dma_wait3A_46 : memref<1x10x128x32xf32, #tpu.memory_space<vmem>> -> memref<10x128x32xf32, #tpu.memory_space<vmem>>
    tpu.wait_dma2 semaphore(%arg9 : memref<!tpu.dma_semaphore, #tpu.memory_space<semaphore_mem>>) src(%dma_wait3A_47 : memref<10x128x32xf32, #tpu.memory_space<vmem>>) dst(%dma_wait3A_42 : memref<10x128x32xf32, #tpu.memory_space<hbm>>)
    return
  }
}

</mosaic_0001>

<sc_bundles>
// kernel: kernel.3.cloned.1.call-start
scs
__scs_entry_jumppad:
0x0: {  	(pc) =	sbr.rel $0x88, $3  }
0x1: {  	(tag) =	ssettag $0x0;
	lr =	simm.s32 $0x1  }
0x2: {  	[smem:$0x3F9F] =	sst lr;
	_ =	strace $0xD0000000  }
0x3: {  	_ = 	snop  }
0x4: {  	_ = 	snop  }
0x5: {  	_ = 	snop  }
0x6: {  	_ = 	snop  }
0x7: {  	_ = 	snop  }
__scs_overlays_trampoline_lowered:
0x8: {  	[smem:$0x3FAE] =	sst s0  }
0x9: {  	[smem:$0x3FAF] =	sst s1  }
0xa: {  	[smem:$0x3FB0] =	sst s2  }
0xb: {  	[smem:$0x3FB1] =	sst s3  }
0xc: {  	[smem:$0x3FB2] =	sst s4  }
0xd: {  	[smem:$0x3FB3] =	sst s5  }
0xe: {  	[smem:$0x3FB4] =	sst s6  }
0xf: {  	[smem:$0x3FB5] =	sst s7  }
0x10: {  	[smem:$0x3FB6] =	sst s8  }
0x11: {  	[smem:$0x3FB7] =	sst s9;
	s0 =	simm.s32 @!p0 $0x0  }
0x12: {  	s1 =	sld [smem:$0x3F9D];
	s0 =	simm.s32 @p0 $0x1  }
0x13: {  	[smem:$0x3FB8] =	sst s0;
	s0 =	simm.s32 @!p1 $0x0  }
0x14: {  	s2 =	sld [smem:$0x3F9C];
	s0 =	simm.s32 @p1 $0x1  }
0x15: {  	[smem:$0x3FB9] =	sst s0;
	s0 =	simm.s32 @!p2 $0x0  }
0x16: {  	s3 =	sld [smem:$0x3FDB];
	s0 =	simm.s32 @p2 $0x1  }
0x17: {  	s4 =	simm.s32 $0x1BF5;
	[smem:$0x3FBB] =	sst s0  }
0x18: {  	s0 =	sld [smem:$0x3F9E];
	_ =	swait.ge [sflag:s4], $0x0  }
0x19: {  	s7 =	sld [smem:$0x3F9F]  }
0x1a: {  	s8 =	sadd.s32 $0xFFFFE003, lr  }
0x1b: {  	s9 =	sadd.s32 $0xFFFFFEF7, lr;
	s5 =	simm.s32 $0xFFFFFFFF;
	p2 =	slt.u32 s8, $0xFFFFF086  }
0x1c: {  	p1 =	slt.u32 s9, $0xF7A;
	s5 =	simm.s32 @!p2 $0x0  }
0x1d: {  	s5 =	simm.s32 @p1 $0x1;
	p0 =	seq.s32 s7, s2  }
0x1e: {  	s7 =	smul.u32 @!p0 $0xF7A, s2;
	p2 =	seq.s32 @!p0 s5, $0x0  }
0x1f: {  	s9 =	smul.u32 $0xF7A, s1;
	s8 =	simm.s32 @!p0 $0x1BF5;
	p2 =	por !p2, p0  }
0x20: {  	[sflag:s8] =	ssyncset.s32 @!p0 $0xFFFFF086;
	s6 =	sadd.s32 @!p0 s3, s7;
	s7 =	simm.s32 @!p0 $0x108  }
0x21: {  	s3 =	sadd.s32 s3, s9;
	s6 =	sadd.s32 @!p0 $0x88, s6;
	s7 =	simm.s32 @p2 $0x1082  }
0x22: {  	[simem:s7], [sflag:s8] =	dma.local @!p0 [hbm:s6], $0xF7A  }
0x23: {  	s9 =	sor.u32 $0xD0000000, s2;
	s6 =	simm.s32 $0x108;
	_ =	swait.ge @!p0 [sflag:s8], $0x0  }
0x24: {  	s3 =	sadd.s32 $0x88, s3;
	s6 =	simm.s32 @!p1 $0x1082;
	[sflag:s4] =	ssyncset.s32 $0xFFFFF086  }
0x25: {  	[simem:s6], [sflag:s4] =	dma.local [hbm:s3], $0xF7A  }
0x26: {  	[smem:$0x3F9F] =	sst s1;
	(tag) =	ssettag s2;
	_ =	strace s9  }
0x27: {  	s1 =	sld [smem:$0x3FAF]  }
0x28: {  	s2 =	sld [smem:$0x3FB0]  }
0x29: {  	s4 =	sld [smem:$0x3FB2]  }
0x2a: {  	p0 =	seq.s32 s5, $0x0;
	s5 =	sld [smem:$0x3FB3]  }
0x2b: {  	s6 =	sld [smem:$0x3FB4]  }
0x2c: {  	s7 =	sld [smem:$0x3FB5]  }
0x2d: {  	s3 =	simm.s32 $0x108;
	s8 =	sld [smem:$0x3FB6]  }
0x2e: {  	s3 =	simm.s32 @!p0 $0x1082;
	s9 =	sld [smem:$0x3FB7]  }
0x2f: {  	lr =	sadd.s32 s0, s3;
	s0 =	sld [smem:$0x3FAE]  }
0x30: {  	s3 =	sld [smem:$0x3FB1]  }
0x31: {  	[smem:$0x3FBA] =	sst s10  }
0x32: {  	s10 =	sld [smem:$0x3FB8];
	_ =	sdelay $0x3  }
0x33: {  	p0 =	seq.s32 s10, $0x1;
	s10 =	sld [smem:$0x3FBA];
	_ =	sdelay $0x3  }
0x34: {  	[smem:$0x3FBA] =	sst s10  }
0x35: {  	s10 =	sld [smem:$0x3FB9];
	_ =	sdelay $0x3  }
0x36: {  	p1 =	seq.s32 s10, $0x1;
	s10 =	sld [smem:$0x3FBA];
	_ =	sdelay $0x3  }
0x37: {  	[smem:$0x3FBA] =	sst s10  }
0x38: {  	s10 =	sld [smem:$0x3FBB]  }
0x39: {  	_ = 	snop;
	(pc) =	sbr.ind lr, $3  }
0x3a: {  	_ = 	snop  }
0x3b: {  	_ = 	snop  }
0x3c: {  	p2 =	seq.s32 s10, $0x1;
	s10 =	sld [smem:$0x3FBA]  }
0x3d: {  	_ =	shalt  }
0x3e: {  	_ =	shalt  }
0x3f: {  	_ =	shalt  }
0x40: {  	_ =	shalt  }
0x41: {  	_ =	shalt  }
0x42: {  	_ =	shalt  }
0x43: {  	_ =	shalt  }
0x44: {  	_ =	shalt  }
0x45: {  	_ =	shalt  }
0x46: {  	_ =	shalt  }
0x47: {  	_ =	shalt  }
0x48: {  	_ =	shalt  }
0x49: {  	_ =	shalt  }
0x4a: {  	_ =	shalt  }
0x4b: {  	_ =	shalt  }
0x4c: {  	_ =	shalt  }
0x4d: {  	_ =	shalt  }
0x4e: {  	_ =	shalt  }
0x4f: {  	_ =	shalt  }
0x50: {  	_ =	shalt  }
0x51: {  	_ =	shalt  }
0x52: {  	_ =	shalt  }
0x53: {  	_ =	shalt  }
0x54: {  	_ =	shalt  }
0x55: {  	_ =	shalt  }
0x56: {  	_ =	shalt  }
0x57: {  	_ =	shalt  }
0x58: {  	_ =	shalt  }
0x59: {  	_ =	shalt  }
0x5a: {  	_ =	shalt  }
0x5b: {  	_ =	shalt  }
0x5c: {  	_ =	shalt  }
0x5d: {  	_ =	shalt  }
0x5e: {  	_ =	shalt  }
0x5f: {  	_ =	shalt  }
0x60: {  	_ =	shalt  }
0x61: {  	_ =	shalt  }
0x62: {  	_ =	shalt  }
0x63: {  	_ =	shalt  }
0x64: {  	_ =	shalt  }
0x65: {  	_ =	shalt  }
0x66: {  	_ =	shalt  }
0x67: {  	_ =	shalt  }
0x68: {  	_ =	shalt  }
0x69: {  	_ =	shalt  }
0x6a: {  	_ =	shalt  }
0x6b: {  	_ =	shalt  }
0x6c: {  	_ =	shalt  }
0x6d: {  	_ =	shalt  }
0x6e: {  	_ =	shalt  }
0x6f: {  	_ =	shalt  }
0x70: {  	_ =	shalt  }
0x71: {  	_ =	shalt  }
0x72: {  	_ =	shalt  }
0x73: {  	_ =	shalt  }
0x74: {  	_ =	shalt  }
0x75: {  	_ =	shalt  }
0x76: {  	_ =	shalt  }
0x77: {  	_ =	shalt  }
0x78: {  	_ =	shalt  }
0x79: {  	_ =	shalt  }
0x7a: {  	_ =	shalt  }
0x7b: {  	_ =	shalt  }
0x7c: {  	_ =	shalt  }
0x7d: {  	_ =	shalt  }
0x7e: {  	_ =	shalt  }
0x7f: {  	_ =	shalt  }
0x80: {  	_ =	shalt  }
0x81: {  	_ =	shalt  }
0x82: {  	_ =	shalt  }
0x83: {  	_ =	shalt  }
0x84: {  	_ =	shalt  }
0x85: {  	_ =	shalt  }
0x86: {  	_ =	shalt  }
0x87: {  	_ =	shalt  }
.Lfunc_end0:
.L_simem_size_0:
called_computation.1_lowered:
.L_overlay_start_0:
0x88: {  	s2 =	sld [smem:$0x3FD9]  }
0x89: {  	s3 =	sld [smem:$0x3FFE];
	_ =	sdelay $0x1  }
0x8a: {  	s1 =	srdreg.scid  }
0x8b: {  	s0 =	sand.u32 $0x1, s1  }
0x8c: {  	s17 =	sshll.u32 s0, $0xA;
	s2 =	sadd.s32 s3, s2  }
0x8d: {  	s2 =	sadd.s32 s2, s17  }
0x8e: {  	[smem:$0x3FC6] =	sst s2  }
0x8f: {  	_ = 	snop  }
0x90: {  	s2 =	sld [smem:$0x3FD0];
	(tm) =	ssettm $0x1  }
0x91: {  	s18 =	sld [smem:$0x3FFB];
	_ =	sdelay $0x3  }
0x92: {  	_ =	strace s18  }
0x93: {  	s3 =	sld [smem:$0x3FFC];
	_ =	sdelay $0x3  }
0x94: {  	_ =	strace s3  }
0x95: {  	s3 =	sld [smem:$0x3FFD];
	_ =	sdelay $0x3  }
0x96: {  	_ =	strace s3  }
0x97: {  	_ =	strace $0x8FFFFFFF  }
0x98: {  	s19 =	sld [smem:$0x3FDB];
	_ =	sdelay $0x1  }
0x99: {  	s4 =	simm.s32 $_scs_section_size  }
0x9a: {  	s5 =	simm.s32 $_size__tile_overlayer_lowered;
	s6 =	simm.s32 $_tile_overlayer_lowered  }
0x9b: {  	s22 =	simm.s32 $0x1BFF;
	s21 =	sshll.u32 s6, $0x1;
	s3 =	sadd.s32 s4, s19  }
0x9c: {  	s7 =	simm.s32 $0x0;
	s20 =	sshll.u32 s5, $0x1;
	s5 =	sadd.s32 s21, s3  }
0x9d: {  	[timem:s7], [sflag:s22] =	dma.local [hbm:s5], s20  }
0x9e: {  	_ =	swait.ge [sflag:s22], s20  }
0x9f: {  	s4 =	ssub.s32 $0x0, s20;
	[sflag:s22] =	ssyncset.done $0x0  }
0xa0: {  	[sflag:s22] =	ssyncadd.s32 s4;
	_ =	sdelay $0x1  }
0xa1: {  	s23 =	simm.s32 $0x1B8B  }
0xa2: {  	_ =	swait.ge [sflag:s23], $0x1  }
0xa3: {  	[sflag:s23] =	ssyncset.done $0x0  }
0xa4: {  	s25 =	simm.s32 $0x1B8E;
	s24 =	sld [smem:$0x3FFE];
	[sflag:s23] =	ssyncadd.s32 $0xFFFFFFFF  }
0xa5: {  	s26 =	simm.s32 $execute0_lowered;
	[smem:$0x3FD2] =	sst s25  }
0xa6: {  	s5 =	sshll.u32 s26, $0x1;
	_ =	strace $0x80000046;
	[dreg:$0x1] =	wrdreg $0xFFFFFFFF  }
0xa7: {  	s28 =	simm.s32 $_size_execute0_lowered;
	s3 =	sadd.s32 s3, s5;
	[dreg:$0x0] =	wrdreg $0x0  }
0xa8: {  	s5 =	sshll.u32 s28, $0x1;
	[dreg:$0x2] =	wrdreg s3  }
0xa9: {  	[dreg:$0x3] =	wrdreg s5  }
0xaa: {  	[dreg:$0x4] =	wrdreg $0xC0  }
0xab: {  	_ =	task [dreg:s7], $0x5FFFF  }
0xac: {  	[dreg:$0x1] =	wrdreg $0xFFFFFFFF  }
0xad: {  	[dreg:$0x0] =	wrdreg $0x60  }
0xae: {  	[dreg:$0x2] =	wrdreg s24  }
0xaf: {  	[dreg:$0x3] =	wrdreg s2  }
0xb0: {  	[dreg:$0x4] =	wrdreg $0x9  }
0xb1: {  	_ =	task.clear_ibuf [dreg:s7], $0x5FFFF;
	_ =	strace $0x90000046  }
0xb2: {  	s29 =	simm.s32 $0x9;
	_ =	strace $0x80000048  }
0xb3: {  	_ =	swait.ge [sflag:s29], $0x1  }
0xb4: {  	[sflag:s29] =	ssyncadd.s32 $0xFFFFFFFF  }
0xb5: {  	_ =	strace $0x90000048  }
0xb6: {  	_ =	sfence  }
0xb7: {  	s30 =	sld [smem:$0x0];
	_ =	sdelay $0x2  }
0xb8: {  	s31 =	sshll.u32 s1, $0xD;
	s1 =	sshrl.u32 s1, $0x2  }
0xb9: {  	s3 =	sand.u32 $0x4000, s31;
	s1 =	sadd.s32 s1, s30  }
0xba: {  	s0 =	sor.u32 s3, s0;
	s1 =	sshll.u32 s1, $0x11  }
0xbb: {  	s0 =	sor.u32 s1, s0  }
0xbc: {  	s0 =	sadd.s32 $0x8F2B, s0  }
0xbd: {  	[sflag:s0] =	ssyncadd.remote.s32 $0x1  }
0xbe: {  	_ =	sfence.sel $0xFFFF  }
0xbf: {  	[dreg:$0x0] =	wrdreg $0xFFFFFFFF;
	(pc) =	sbr.abs _section_cstart, $3  }
0xc0: {  	[dreg:$0x1] =	wrdreg $0xFFFFFFFF  }
0xc1: {  	_ =	task.clear_ibuf [dreg:s7], $0x2FFFF;
	_ =	strace $0x9FFFFFFF  }
0xc2: {  	(tm) =	ssettm $0x7FFFFFFF  }
0xc3: {  	_ =	shalt  }
tec
execute0_lowered:
.L_overlay_start_1:
0x0: {  	(tag) =	ssettag $0x1  }
0x1: {  	s0 =	srdreg.scid;
	s1 =	rddreg [dreg:$0x0]  }
0x2: {  	s2 =	stileid.u32;
	s10 =	rddreg [dreg:$0x1];
	s21 =	simm.s32 $0x0  }
0x3: {  	s11 =	simm.s32 $0x80;
	s12 =	simm.s32 $0x6400;
	s13 =	simm.s32 $0x9400  }
0x4: {  	s15 =	simm.s32 $0xA400;
	s17 =	simm.s32 $0xB400;
	s19 =	simm.s32 $0xC400  }
0x5: {  	s16 =	simm.s32 $0xF400;
	s31 =	simm.s32 $0x1;
	s20 =	simm.s32 $0x11400  }
0x6: {  	s14 =	simm.s32 $0x14400;
	s18 =	simm.s32 $0x18400;
	s29 =	simm.s32 $0x13400  }
0x7: {  	s30 =	simm.s32 $0xE400;
	s0 =	sand.u32 $0x1, s0;
	s3 =	sshll.u32 s2, $0x1  }
0x8: {  	[smem:$0x7FF] =	sst s21;
	s6 =	smul.u32 $0x190000, s2;
	s21 =	simm.s32 $0xD400  }
0x9: {  	s4 =	sor.u32 s0, s3;
	s7 =	ssub.s32 $0x2, s0;
	s0 =	smul.u32 $0xC8000, s0  }
0xa: {  	_ =	strace $0x80000047;
	s3 =	simm.s32 $0x19400;
	s5 =	smul.u32 $0xC80, s4  }
0xb: {  	s8 =	sshrl.u32 s7, $0x1;
	s9 =	smul.u32 $0xC8000, s4;
	s4 =	sadd.s32 $0xF42E00, s1  }
0xc: {  	s22 =	ssub.s32 s7, s8;
	s0 =	sadd.s32 s0, s6;
	s8 =	simm.s32 $0x7400  }
0xd: {  	s7 =	simm.s32 $0x0;
	s5 =	sadd.s32 s5, s1;
	s24 =	sshrl.u32 s9, $0x3  }
0xe: {  	s6 =	sadd.s32 $0x1E000, s0;
	s1 =	smax.u32 s22, $0x1;
	s0 =	sadd.s32 $0x14000, s0  }
0xf: {  	s9 =	simm.s32 $0x8400;
	s22 =	simm.s32 $0x15400;
	s23 =	sadd.s32 $0xA00, s5  }
0x10: {  	[dreg:$0x5] =	wrdreg s1;
	s25 =	sadd.s32 s10, s24;
	s26 =	sshrl.u32 s6, $0x3  }
0x11: {  	[dreg:$0x8] =	wrdreg s0;
	s0 =	simm.s32 $0x10400;
	s24 =	simm.s32 $0x12400  }
0x12: {  	s1 =	simm.s32 $0x16400;
	s5 =	simm.s32 $0x2;
	[dreg:$0x4] =	wrdreg s23  }
0x13: {  	s6 =	simm.s32 $0x3;
	[dreg:$0x6] =	wrdreg s25;
	s2 =	sadd.s32 $0x1400, s25  }
0x14: {  	s28 =	sadd.s32 s26, s10;
	s23 =	simm.s32 $0xE400;
	[dreg:$0x7] =	wrdreg s2  }
0x15: {  	s25 =	simm.s32 $0x13400;
	s26 =	simm.s32 $0x17400;
	[dreg:$0x3] =	wrdreg s28  }
.LBB2_1:
0x16: {  	[dreg:$0x9] =	wrdreg s7  }
0x17: {  	s2 =	rddreg [dreg:$0x4];
	s28 =	simm.s32 $0x0;
	s7 =	simm.s32 $0x4  }
0x18: {  	[tilespmem:s28], [sflag:$0x4] =	stream.linear.gather [hbm4b:s2+s28], $0x6400, $0x38;
	[tilespmem:$0x1A400] =	vst v63  }
0x19: {  	_ =	swait.ge [sflag:s7], $0x6400  }
0x1a: {  	[sflag:s7] =	ssyncset.done $0x0  }
0x1b: {  	[sflag:s7] =	ssyncadd.s32 $0xFFFF9C00  }
0x1c: {  	[tilespmem:s12], [sflag:$0x1] =	stream.indirect.gather [hbm4b:s4+s11], $0x20, s28, s11, $0xb8;
	[tilespmem:$0x1A400] =	vst v63  }
0x1d: {  	_ = 	snop  }
0x1e: {  	[tilespmem:s8], [sflag:$0x1] =	stream.indirect.gather [hbm4b:s4+s11], $0x20, s11, s11, $0xb8;
	[tilespmem:$0x1A400] =	vst v63  }
0x1f: {  	s7 =	simm.s32 $0x100  }
0x20: {  	[tilespmem:s9], [sflag:$0x1] =	stream.indirect.gather [hbm4b:s4+s11], $0x20, s7, s11, $0xb8;
	[tilespmem:$0x1A400] =	vst v63  }
0x21: {  	s7 =	simm.s32 $0x180  }
0x22: {  	[tilespmem:s13], [sflag:$0x1] =	stream.indirect.gather [hbm4b:s4+s11], $0x20, s7, s11, $0xb8;
	[tilespmem:$0x1A400] =	vst v63  }
0x23: {  	s7 =	simm.s32 $0x200  }
0x24: {  	[tilespmem:s15], [sflag:$0x1] =	stream.indirect.gather [hbm4b:s4+s11], $0x20, s7, s11, $0xb8;
	[tilespmem:$0x1A400] =	vst v63  }
0x25: {  	s7 =	simm.s32 $0x280  }
0x26: {  	[tilespmem:s17], [sflag:$0x1] =	stream.indirect.gather [hbm4b:s4+s11], $0x20, s7, s11, $0xb8;
	[tilespmem:$0x1A400] =	vst v63  }
0x27: {  	s7 =	simm.s32 $0x300  }
0x28: {  	[tilespmem:s19], [sflag:$0x1] =	stream.indirect.gather [hbm4b:s4+s11], $0x20, s7, s11, $0xb8;
	[tilespmem:$0x1A400] =	vst v63  }
0x29: {  	s7 =	simm.s32 $0x380  }
0x2a: {  	[tilespmem:s21], [sflag:$0x1] =	stream.indirect.gather [hbm4b:s4+s11], $0x20, s7, s11, $0xb8;
	[tilespmem:$0x1A400] =	vst v63  }
0x2b: {  	s7 =	simm.s32 $0x400  }
0x2c: {  	[tilespmem:s23], [sflag:$0x1] =	stream.indirect.gather [hbm4b:s4+s11], $0x20, s7, s11, $0xb8;
	[tilespmem:$0x1A400] =	vst v63  }
0x2d: {  	s7 =	simm.s32 $0x480  }
0x2e: {  	[tilespmem:s16], [sflag:$0x1] =	stream.indirect.gather [hbm4b:s4+s11], $0x20, s7, s11, $0xb8;
	[tilespmem:$0x1A400] =	vst v63  }
0x2f: {  	_ =	swait.ge [sflag:s31], $0xA000  }
0x30: {  	[sflag:s31] =	ssyncset.done $0x0  }
0x31: {  	s7 =	rddreg [dreg:$0x6];
	[sflag:s31] =	ssyncadd.s32 $0xFFFF6000  }
0x32: {  	[hbm4b:s7+s28] =	stream.linear.scatter [tilespmem:s12], [sflag:$0x2], $0xA000, $0x38;
	[tilespmem:$0x1A400] =	vst v63  }
0x33: {  	s7 =	simm.s32 $0x500  }
0x34: {  	[tilespmem:s0], [sflag:$0x1] =	stream.indirect.gather [hbm4b:s4+s11], $0x20, s7, s11, $0xb8;
	[tilespmem:$0x1A400] =	vst v63  }
0x35: {  	s7 =	simm.s32 $0x580  }
0x36: {  	[tilespmem:s20], [sflag:$0x1] =	stream.indirect.gather [hbm4b:s4+s11], $0x20, s7, s11, $0xb8;
	[tilespmem:$0x1A400] =	vst v63  }
0x37: {  	s7 =	simm.s32 $0x600  }
0x38: {  	[tilespmem:s24], [sflag:$0x1] =	stream.indirect.gather [hbm4b:s4+s11], $0x20, s7, s11, $0xb8;
	[tilespmem:$0x1A400] =	vst v63  }
0x39: {  	s7 =	simm.s32 $0x680  }
0x3a: {  	[tilespmem:s25], [sflag:$0x1] =	stream.indirect.gather [hbm4b:s4+s11], $0x20, s7, s11, $0xb8;
	[tilespmem:$0x1A400] =	vst v63  }
0x3b: {  	s7 =	simm.s32 $0x700  }
0x3c: {  	[tilespmem:s14], [sflag:$0x1] =	stream.indirect.gather [hbm4b:s4+s11], $0x20, s7, s11, $0xb8;
	[tilespmem:$0x1A400] =	vst v63  }
0x3d: {  	s7 =	simm.s32 $0x780  }
0x3e: {  	[tilespmem:s22], [sflag:$0x1] =	stream.indirect.gather [hbm4b:s4+s11], $0x20, s7, s11, $0xb8;
	[tilespmem:$0x1A400] =	vst v63  }
0x3f: {  	s7 =	simm.s32 $0x800  }
0x40: {  	[tilespmem:s1], [sflag:$0x1] =	stream.indirect.gather [hbm4b:s4+s11], $0x20, s7, s11, $0xb8;
	[tilespmem:$0x1A400] =	vst v63  }
0x41: {  	s7 =	simm.s32 $0x880  }
0x42: {  	[tilespmem:s26], [sflag:$0x1] =	stream.indirect.gather [hbm4b:s4+s11], $0x20, s7, s11, $0xb8;
	[tilespmem:$0x1A400] =	vst v63  }
0x43: {  	s7 =	simm.s32 $0x900  }
0x44: {  	[tilespmem:s18], [sflag:$0x1] =	stream.indirect.gather [hbm4b:s4+s11], $0x20, s7, s11, $0xb8;
	[tilespmem:$0x1A400] =	vst v63  }
0x45: {  	s7 =	simm.s32 $0x980  }
0x46: {  	[tilespmem:s3], [sflag:$0x1] =	stream.indirect.gather [hbm4b:s4+s11], $0x20, s7, s11, $0xb8;
	[tilespmem:$0x1A400] =	vst v63  }
0x47: {  	_ =	swait.ge [sflag:s31], $0xA000  }
0x48: {  	[sflag:s31] =	ssyncset.done $0x0  }
0x49: {  	s7 =	rddreg [dreg:$0x7];
	[sflag:s31] =	ssyncadd.s32 $0xFFFF6000  }
0x4a: {  	[hbm4b:s7+s28] =	stream.linear.scatter [tilespmem:s0], [sflag:$0x3], $0xA000, $0x38;
	[tilespmem:$0x1A400] =	vst v63  }
0x4b: {  	_ =	swait.ge [sflag:s5], $0xA000  }
0x4c: {  	[sflag:s5] =	ssyncset.done $0x0  }
0x4d: {  	s2 =	simm.s32 $0xA00;
	[sflag:s5] =	ssyncadd.s32 $0xFFFF6000  }
0x4e: {  	[tilespmem:s12], [sflag:$0x1] =	stream.indirect.gather [hbm4b:s4+s11], $0x20, s2, s11, $0xb8;
	[tilespmem:$0x1A400] =	vst v63  }
0x4f: {  	s2 =	simm.s32 $0xA80  }
0x50: {  	[tilespmem:s8], [sflag:$0x1] =	stream.indirect.gather [hbm4b:s4+s11], $0x20, s2, s11, $0xb8;
	[tilespmem:$0x1A400] =	vst v63  }
0x51: {  	s8 =	simm.s32 $0xB00  }
0x52: {  	[tilespmem:s9], [sflag:$0x1] =	stream.indirect.gather [hbm4b:s4+s11], $0x20, s8, s11, $0xb8;
	[tilespmem:$0x1A400] =	vst v63  }
0x53: {  	s9 =	simm.s32 $0xB80  }
0x54: {  	[tilespmem:s13], [sflag:$0x1] =	stream.indirect.gather [hbm4b:s4+s11], $0x20, s9, s11, $0xb8;
	[tilespmem:$0x1A400] =	vst v63  }
0x55: {  	s13 =	simm.s32 $0xC00  }
0x56: {  	[tilespmem:s15], [sflag:$0x1] =	stream.indirect.gather [hbm4b:s4+s11], $0x20, s13, s11, $0xb8;
	[tilespmem:$0x1A400] =	vst v63  }
0x57: {  	s15 =	simm.s32 $0xC80  }
0x58: {  	[tilespmem:s17], [sflag:$0x1] =	stream.indirect.gather [hbm4b:s4+s11], $0x20, s15, s11, $0xb8;
	[tilespmem:$0x1A400] =	vst v63  }
0x59: {  	s17 =	simm.s32 $0xD00  }
0x5a: {  	[tilespmem:s19], [sflag:$0x1] =	stream.indirect.gather [hbm4b:s4+s11], $0x20, s17, s11, $0xb8;
	[tilespmem:$0x1A400] =	vst v63  }
0x5b: {  	s19 =	simm.s32 $0xD80  }
0x5c: {  	[tilespmem:s21], [sflag:$0x1] =	stream.indirect.gather [hbm4b:s4+s11], $0x20, s19, s11, $0xb8;
	[tilespmem:$0x1A400] =	vst v63  }
0x5d: {  	s2 =	simm.s32 $0xE00  }
0x5e: {  	[tilespmem:s23], [sflag:$0x1] =	stream.indirect.gather [hbm4b:s4+s11], $0x20, s2, s11, $0xb8;
	[tilespmem:$0x1A400] =	vst v63  }
0x5f: {  	s8 =	simm.s32 $0xE80  }
0x60: {  	[tilespmem:s16], [sflag:$0x1] =	stream.indirect.gather [hbm4b:s4+s11], $0x20, s8, s11, $0xb8;
	[tilespmem:$0x1A400] =	vst v63  }
0x61: {  	_ =	swait.ge [sflag:s31], $0xA000  }
0x62: {  	s2 =	rddreg [dreg:$0x8]  }
0x63: {  	[sflag:s31] =	ssyncset.done $0x0;
	s9 =	sshrl.u32 s2, $0x3  }
0x64: {  	[sflag:s31] =	ssyncadd.s32 $0xFFFF6000;
	s7 =	sadd.s32 s10, s9  }
0x65: {  	[hbm4b:s7+s28] =	stream.linear.scatter [tilespmem:s12], [sflag:$0x2], $0xA000, $0x38;
	[tilespmem:$0x1A400] =	vst v63  }
0x66: {  	_ =	swait.ge [sflag:s6], $0xA000  }
0x67: {  	[sflag:s6] =	ssyncset.done $0x0  }
0x68: {  	s13 =	simm.s32 $0xF00;
	[sflag:s6] =	ssyncadd.s32 $0xFFFF6000  }
0x69: {  	[tilespmem:s0], [sflag:$0x1] =	stream.indirect.gather [hbm4b:s4+s11], $0x20, s13, s11, $0xb8;
	[tilespmem:$0x1A400] =	vst v63  }
0x6a: {  	s15 =	simm.s32 $0xF80  }
0x6b: {  	[tilespmem:s20], [sflag:$0x1] =	stream.indirect.gather [hbm4b:s4+s11], $0x20, s15, s11, $0xb8;
	[tilespmem:$0x1A400] =	vst v63  }
0x6c: {  	s16 =	simm.s32 $0x1000  }
0x6d: {  	[tilespmem:s24], [sflag:$0x1] =	stream.indirect.gather [hbm4b:s4+s11], $0x20, s16, s11, $0xb8;
	[tilespmem:$0x1A400] =	vst v63  }
0x6e: {  	s17 =	simm.s32 $0x1080;
	s19 =	simm.s32 $0x1100  }
0x6f: {  	[tilespmem:s25], [sflag:$0x1] =	stream.indirect.gather [hbm4b:s4+s11], $0x20, s17, s11, $0xb8;
	[tilespmem:$0x1A400] =	vst v63  }
0x70: {  	s21 =	simm.s32 $0x1200;
	s23 =	simm.s32 $0x1300;
	s28 =	simm.s32 $0xD400  }
0x71: {  	[tilespmem:s14], [sflag:$0x1] =	stream.indirect.gather [hbm4b:s4+s11], $0x20, s19, s11, $0xb8;
	[tilespmem:$0x1A400] =	vst v63  }
0x72: {  	s7 =	simm.s32 $0x2800;
	s13 =	smov.u32 s10;
	s20 =	simm.s32 $0x1180  }
0x73: {  	[tilespmem:s22], [sflag:$0x1] =	stream.indirect.gather [hbm4b:s4+s11], $0x20, s20, s11, $0xb8;
	[tilespmem:$0x1A400] =	vst v63  }
0x74: {  	s10 =	sadd.s32 $0x14000, s2;
	s15 =	simm.s32 $0x7400;
	s24 =	simm.s32 $0x1380  }
0x75: {  	[tilespmem:s1], [sflag:$0x1] =	stream.indirect.gather [hbm4b:s4+s11], $0x20, s21, s11, $0xb8;
	[tilespmem:$0x1A400] =	vst v63  }
0x76: {  	s16 =	simm.s32 $0xF400;
	s25 =	rddreg [dreg:$0x3];
	s22 =	simm.s32 $0x1280  }
0x77: {  	[tilespmem:s26], [sflag:$0x1] =	stream.indirect.gather [hbm4b:s4+s11], $0x20, s22, s11, $0xb8;
	[tilespmem:$0x1A400] =	vst v63  }
0x78: {  	s17 =	simm.s32 $0x8400;
	s8 =	sadd.s32 $0x0, s25;
	s25 =	simm.s32 $0xC400  }
0x79: {  	[tilespmem:s18], [sflag:$0x1] =	stream.indirect.gather [hbm4b:s4+s11], $0x20, s23, s11, $0xb8;
	[tilespmem:$0x1A400] =	vst v63  }
0x7a: {  	s19 =	simm.s32 $0x9400;
	s20 =	simm.s32 $0x11400;
	s1 =	simm.s32 $0x16400  }
0x7b: {  	[tilespmem:s3], [sflag:$0x1] =	stream.indirect.gather [hbm4b:s4+s11], $0x20, s24, s11, $0xb8;
	[tilespmem:$0x1A400] =	vst v63  }
0x7c: {  	s22 =	simm.s32 $0x15400;
	s26 =	simm.s32 $0x17400;
	_ =	swait.ge [sflag:s31], $0xA000  }
0x7d: {  	s18 =	simm.s32 $0x18400;
	s23 =	simm.s32 $0xB400;
	[sflag:s31] =	ssyncset.done $0x0  }
0x7e: {  	s24 =	simm.s32 $0x12400;
	s3 =	simm.s32 $0x19400;
	[sflag:s31] =	ssyncadd.s32 $0xFFFF6000  }
.LBB2_2:
0x7f: {  	s21 =	simm.s32 $0x0  }
0x80: {  	[hbm4b:s8+s21] =	stream.linear.scatter [tilespmem:s0], [sflag:$0x3], $0xA000, $0x38;
	[tilespmem:$0x1A400] =	vst v63  }
0x81: {  	s9 =	smov.u32 s7;
	_ =	swait.ge [sflag:s5], $0xA000  }
0x82: {  	s8 =	sshra.s32 s9, $0x2;
	[sflag:s5] =	ssyncset.done $0x0  }
0x83: {  	s2 =	sadd.s32 $0xA00, s8;
	[sflag:s5] =	ssyncadd.s32 $0xFFFF6000  }
0x84: {  	[tilespmem:s12], [sflag:$0x1] =	stream.indirect.gather [hbm4b:s4+s11], $0x20, s2, s11, $0xb8;
	[tilespmem:$0x1A400] =	vst v63  }
0x85: {  	s14 =	sadd.s32 $0xA80, s8  }
0x86: {  	[tilespmem:s15], [sflag:$0x1] =	stream.indirect.gather [hbm4b:s4+s11], $0x20, s14, s11, $0xb8;
	[tilespmem:$0x1A400] =	vst v63  }
0x87: {  	s14 =	sadd.s32 $0xB00, s8  }
0x88: {  	[tilespmem:s17], [sflag:$0x1] =	stream.indirect.gather [hbm4b:s4+s11], $0x20, s14, s11, $0xb8;
	[tilespmem:$0x1A400] =	vst v63  }
0x89: {  	s14 =	sadd.s32 $0xB80, s8  }
0x8a: {  	[tilespmem:s19], [sflag:$0x1] =	stream.indirect.gather [hbm4b:s4+s11], $0x20, s14, s11, $0xb8;
	[tilespmem:$0x1A400] =	vst v63  }
0x8b: {  	s2 =	sadd.s32 $0xC00, s8;
	s14 =	simm.s32 $0xA400  }
0x8c: {  	[tilespmem:s14], [sflag:$0x1] =	stream.indirect.gather [hbm4b:s4+s11], $0x20, s2, s11, $0xb8;
	[tilespmem:$0x1A400] =	vst v63  }
0x8d: {  	s14 =	sadd.s32 $0xC80, s8  }
0x8e: {  	[tilespmem:s23], [sflag:$0x1] =	stream.indirect.gather [hbm4b:s4+s11], $0x20, s14, s11, $0xb8;
	[tilespmem:$0x1A400] =	vst v63  }
0x8f: {  	s14 =	sadd.s32 $0xD00, s8  }
0x90: {  	[tilespmem:s25], [sflag:$0x1] =	stream.indirect.gather [hbm4b:s4+s11], $0x20, s14, s11, $0xb8;
	[tilespmem:$0x1A400] =	vst v63  }
0x91: {  	s14 =	sadd.s32 $0xD80, s8  }
0x92: {  	[tilespmem:s28], [sflag:$0x1] =	stream.indirect.gather [hbm4b:s4+s11], $0x20, s14, s11, $0xb8;
	[tilespmem:$0x1A400] =	vst v63  }
0x93: {  	s14 =	sadd.s32 $0xE00, s8  }
0x94: {  	[tilespmem:s30], [sflag:$0x1] =	stream.indirect.gather [hbm4b:s4+s11], $0x20, s14, s11, $0xb8;
	[tilespmem:$0x1A400] =	vst v63  }
0x95: {  	s14 =	sadd.s32 $0xE80, s8  }
0x96: {  	[tilespmem:s16], [sflag:$0x1] =	stream.indirect.gather [hbm4b:s4+s11], $0x20, s14, s11, $0xb8;
	[tilespmem:$0x1A400] =	vst v63  }
0x97: {  	_ =	swait.ge [sflag:s31], $0xA000  }
0x98: {  	s14 =	sshrl.u32 s10, $0x3;
	[sflag:s31] =	ssyncset.done $0x0  }
0x99: {  	s2 =	sadd.s32 s13, s14;
	[sflag:s31] =	ssyncadd.s32 $0xFFFF6000  }
0x9a: {  	[hbm4b:s2+s21] =	stream.linear.scatter [tilespmem:s12], [sflag:$0x2], $0xA000, $0x38;
	[tilespmem:$0x1A400] =	vst v63  }
0x9b: {  	_ =	swait.ge [sflag:s6], $0xA000  }
0x9c: {  	[sflag:s6] =	ssyncset.done $0x0  }
0x9d: {  	s21 =	sadd.s32 $0xF00, s8;
	[sflag:s6] =	ssyncadd.s32 $0xFFFF6000  }
0x9e: {  	[tilespmem:s0], [sflag:$0x1] =	stream.indirect.gather [hbm4b:s4+s11], $0x20, s21, s11, $0xb8;
	[tilespmem:$0x1A400] =	vst v63  }
0x9f: {  	s21 =	sadd.s32 $0xF80, s8  }
0xa0: {  	[tilespmem:s20], [sflag:$0x1] =	stream.indirect.gather [hbm4b:s4+s11], $0x20, s21, s11, $0xb8;
	[tilespmem:$0x1A400] =	vst v63  }
0xa1: {  	s21 =	sadd.s32 $0x1000, s8  }
0xa2: {  	[tilespmem:s24], [sflag:$0x1] =	stream.indirect.gather [hbm4b:s4+s11], $0x20, s21, s11, $0xb8;
	[tilespmem:$0x1A400] =	vst v63  }
0xa3: {  	s21 =	sadd.s32 $0x1080, s8  }
0xa4: {  	[tilespmem:s29], [sflag:$0x1] =	stream.indirect.gather [hbm4b:s4+s11], $0x20, s21, s11, $0xb8;
	[tilespmem:$0x1A400] =	vst v63  }
0xa5: {  	s2 =	sadd.s32 $0x1100, s8;
	s21 =	simm.s32 $0x14400  }
0xa6: {  	[tilespmem:s21], [sflag:$0x1] =	stream.indirect.gather [hbm4b:s4+s11], $0x20, s2, s11, $0xb8;
	[tilespmem:$0x1A400] =	vst v63  }
0xa7: {  	s21 =	sadd.s32 $0x1180, s8  }
0xa8: {  	[tilespmem:s22], [sflag:$0x1] =	stream.indirect.gather [hbm4b:s4+s11], $0x20, s21, s11, $0xb8;
	[tilespmem:$0x1A400] =	vst v63  }
0xa9: {  	s21 =	sadd.s32 $0x1200, s8  }
0xaa: {  	[tilespmem:s1], [sflag:$0x1] =	stream.indirect.gather [hbm4b:s4+s11], $0x20, s21, s11, $0xb8;
	[tilespmem:$0x1A400] =	vst v63  }
0xab: {  	s21 =	sadd.s32 $0x1280, s8  }
0xac: {  	[tilespmem:s26], [sflag:$0x1] =	stream.indirect.gather [hbm4b:s4+s11], $0x20, s21, s11, $0xb8;
	[tilespmem:$0x1A400] =	vst v63  }
0xad: {  	p0 =	sne.s32 s7, $0x14000;
	s21 =	sadd.s32 $0x1300, s8  }
0xae: {  	[tilespmem:s18], [sflag:$0x1] =	stream.indirect.gather [hbm4b:s4+s11], $0x20, s21, s11, $0xb8;
	[tilespmem:$0x1A400] =	vst v63  }
.Ltmp0:
0xaf: {  	s8 =	sadd.s32 $0x1380, s8;
	(pc) =	sbr.rel @p0 .LBB2_2-.Ltmp0, $4  }
0xb0: {  	[tilespmem:s3], [sflag:$0x1] =	stream.indirect.gather [hbm4b:s4+s11], $0x20, s8, s11, $0xb8;
	[tilespmem:$0x1A400] =	vst v63  }
0xb1: {  	s21 =	rddreg [dreg:$0x3];
	_ =	swait.ge [sflag:s31], $0xA000  }
0xb2: {  	s7 =	sadd.s32 $0x2800, s7;
	s10 =	sadd.s32 $0x14000, s10;
	[sflag:s31] =	ssyncset.done $0x0  }
0xb3: {  	s14 =	simm.s32 $0x0;
	s8 =	sadd.s32 s9, s21;
	[sflag:s31] =	ssyncadd.s32 $0xFFFF6000  }
0xb4: {  	[hbm4b:s8+s14] =	stream.linear.scatter [tilespmem:s0], [sflag:$0x3], $0xA000, $0x38;
	[tilespmem:$0x1A400] =	vst v63  }
0xb5: {  	_ =	swait.ge [sflag:s5], $0xA000  }
0xb6: {  	[sflag:s5] =	ssyncset.done $0x0  }
0xb7: {  	[sflag:s5] =	ssyncadd.s32 $0xFFFF6000  }
0xb8: {  	s10 =	smov.u32 s13;
	s8 =	simm.s32 $0x7400;
	_ =	swait.ge [sflag:s6], $0xA000  }
0xb9: {  	s9 =	simm.s32 $0x8400;
	s13 =	simm.s32 $0x9400;
	s7 =	rddreg [dreg:$0x9]  }
0xba: {  	s15 =	simm.s32 $0xA400;
	s2 =	rddreg [dreg:$0x5];
	s7 =	sadd.s32 $0x1, s7  }
0xbb: {  	s17 =	simm.s32 $0xB400;
	s19 =	simm.s32 $0xC400;
	p0 =	sne.s32 s7, s2  }
.Ltmp1:
0xbc: {  	s21 =	simm.s32 $0xD400;
	s23 =	simm.s32 $0xE400;
	(pc) =	sbr.rel @p0 .LBB2_1-.Ltmp1, $4  }
0xbd: {  	s16 =	simm.s32 $0xF400;
	s20 =	simm.s32 $0x11400;
	s24 =	simm.s32 $0x12400  }
0xbe: {  	s25 =	simm.s32 $0x13400;
	s14 =	simm.s32 $0x14400;
	s22 =	simm.s32 $0x15400  }
0xbf: {  	s1 =	simm.s32 $0x16400;
	s26 =	simm.s32 $0x17400;
	[sflag:s6] =	ssyncset.done $0x0  }
0xc0: {  	s18 =	simm.s32 $0x18400;
	s3 =	simm.s32 $0x19400;
	[sflag:s6] =	ssyncadd.s32 $0xFFFF6000  }
0xc1: {  	_ =	sfence.sel $0x180000  }
0xc2: {  	[bflag:$0x0] =	sbarrier.arrive $0xFFFF  }
0xc3: {  	_ =	strace $0x90000047  }
0xc4: {  	s0 =	stileid.u32;
	[bflag:$0x2] =	sbarrier.arrive $0xFFFF  }
0xc5: {  	p0 =	sne.s32 s0, $0x0;
	s0 =	rddreg [dreg:$0x2]  }
0xc6: {  	s0 =	sadd.s32 @!p0 $0x100000, s0  }
0xc7: {  	[sflag:s0] =	ssyncadd.tile.s32 @!p0 $0x1;
	_ =	shalt  }
.Lfunc_end2:
_tile_overlayer_lowered:
.L_overlay_start_2:
0xc8: {  	(tag) =	ssettag $0x2  }
0xc9: {  	s0 =	rddreg [dreg:$0x0];
	s2 =	stileid.u32  }
0xca: {  	s1 =	rddreg [dreg:$0x1];
	p0 =	sne.s32 s2, $0x0  }
0xcb: {  	s3 =	rddreg [dreg:$0x2];
	[bflag:$0x3] =	sbarrier.arrive $0xFFFF;
	s2 =	simm.s32 @!p0 $0x1C04  }
0xcc: {  	[timem:s3], [sflag:s2] =	dma.local @!p0 [hbm:s0], s1  }
0xcd: {  	s0 =	simm.s32 @!p0 $0x4  }
0xce: {  	_ =	swait.ge @!p0 [sflag:s0], s1  }
0xcf: {  	s1 =	ssub.s32 @!p0 $0x0, s1;
	[sflag:s0] =	ssyncset.done @!p0 $0x0  }
0xd0: {  	[sflag:s0] =	ssyncadd.s32 @!p0 s1  }
0xd1: {  	[bflag:$0x3] =	sbarrier.arrive $0xFFFF  }
0xd2: {  	_ =	shalt  }

// kernel: sparse-core-data-format-call.cloned.1.call-start
scs
called_computation_lowered:
.L_overlay_start_0:
0x0: {  	s2 =	sld [smem:$0x3FD9]  }
0x1: {  	s3 =	sld [smem:$0x3FFE];
	_ =	sdelay $0x1  }
0x2: {  	s1 =	srdreg.scid  }
0x3: {  	s0 =	sand.u32 $0x1, s1  }
0x4: {  	s18 =	sshll.u32 s0, $0xA;
	s2 =	sadd.s32 s3, s2  }
0x5: {  	s2 =	sadd.s32 s2, s18  }
0x6: {  	[smem:$0x3FC6] =	sst s2  }
0x7: {  	_ = 	snop  }
0x8: {  	s2 =	sld [smem:$0x3FD0];
	(tm) =	ssettm $0x1  }
0x9: {  	s19 =	sld [smem:$0x3FFB];
	_ =	sdelay $0x3  }
0xa: {  	_ =	strace s19  }
0xb: {  	s3 =	sld [smem:$0x3FFC];
	_ =	sdelay $0x3  }
0xc: {  	_ =	strace s3  }
0xd: {  	s3 =	sld [smem:$0x3FFD];
	_ =	sdelay $0x3  }
0xe: {  	_ =	strace s3  }
0xf: {  	_ =	strace $0x8FFFFFFF  }
0x10: {  	s20 =	sld [smem:$0x3FDB];
	_ =	sdelay $0x1  }
0x11: {  	s4 =	simm.s32 $_scs_section_size  }
0x12: {  	s5 =	simm.s32 $_size__tile_overlayer_lowered;
	s6 =	simm.s32 $_tile_overlayer_lowered  }
0x13: {  	s23 =	simm.s32 $0x1BFF;
	s22 =	sshll.u32 s6, $0x1;
	s3 =	sadd.s32 s4, s20  }
0x14: {  	s7 =	simm.s32 $0x0;
	s21 =	sshll.u32 s5, $0x1;
	s5 =	sadd.s32 s22, s3  }
0x15: {  	[timem:s7], [sflag:s23] =	dma.local [hbm:s5], s21  }
0x16: {  	_ =	swait.ge [sflag:s23], s21  }
0x17: {  	s4 =	ssub.s32 $0x0, s21;
	[sflag:s23] =	ssyncset.done $0x0  }
0x18: {  	[sflag:s23] =	ssyncadd.s32 s4;
	_ =	sdelay $0x1  }
0x19: {  	s24 =	simm.s32 $0x1B8B  }
0x1a: {  	_ =	swait.ge [sflag:s24], $0x1  }
0x1b: {  	[sflag:s24] =	ssyncset.done $0x0  }
0x1c: {  	s26 =	simm.s32 $0x1B8E;
	s25 =	sld [smem:$0x3FFE];
	[sflag:s24] =	ssyncadd.s32 $0xFFFFFFFF  }
0x1d: {  	s27 =	simm.s32 $execute0_lowered;
	[smem:$0x3FD2] =	sst s26  }
0x1e: {  	s5 =	sshll.u32 s27, $0x1;
	_ =	strace $0x80000049;
	[dreg:$0x1] =	wrdreg $0xFFFFFFFF  }
0x1f: {  	s28 =	simm.s32 $_size_execute0_lowered;
	s3 =	sadd.s32 s3, s5;
	[dreg:$0x0] =	wrdreg $0x0  }
0x20: {  	s5 =	sshll.u32 s28, $0x1;
	[dreg:$0x2] =	wrdreg s3  }
0x21: {  	[dreg:$0x3] =	wrdreg s5  }
0x22: {  	[dreg:$0x4] =	wrdreg $0xC0  }
0x23: {  	_ =	task [dreg:s7], $0x5FFFF  }
0x24: {  	[dreg:$0x1] =	wrdreg $0xFFFFFFFF  }
0x25: {  	[dreg:$0x0] =	wrdreg $0x60  }
0x26: {  	[dreg:$0x2] =	wrdreg s25  }
0x27: {  	[dreg:$0x3] =	wrdreg s2  }
0x28: {  	[dreg:$0x4] =	wrdreg $0x9  }
0x29: {  	_ =	task.clear_ibuf [dreg:s7], $0x5FFFF;
	_ =	strace $0x90000049  }
0x2a: {  	s29 =	simm.s32 $0x9;
	_ =	strace $0x8000004B  }
0x2b: {  	_ =	swait.ge [sflag:s29], $0x1  }
0x2c: {  	[sflag:s29] =	ssyncadd.s32 $0xFFFFFFFF  }
0x2d: {  	_ =	strace $0x9000004B  }
0x2e: {  	_ =	sfence  }
0x2f: {  	s30 =	sld [smem:$0x0];
	_ =	sdelay $0x2  }
0x30: {  	s31 =	sshll.u32 s1, $0xD;
	s1 =	sshrl.u32 s1, $0x2  }
0x31: {  	s3 =	sand.u32 $0x4000, s31;
	s1 =	sadd.s32 s1, s30  }
0x32: {  	s0 =	sor.u32 s3, s0;
	s1 =	sshll.u32 s1, $0x11  }
0x33: {  	s0 =	sor.u32 s1, s0  }
0x34: {  	s0 =	sadd.s32 $0x8F2B, s0  }
0x35: {  	[sflag:s0] =	ssyncadd.remote.s32 $0x1  }
0x36: {  	_ =	sfence.sel $0xFFFF  }
0x37: {  	[dreg:$0x0] =	wrdreg $0xFFFFFFFF;
	(pc) =	sbr.abs _section_cstart, $3  }
0x38: {  	[dreg:$0x1] =	wrdreg $0xFFFFFFFF  }
0x39: {  	_ =	task.clear_ibuf [dreg:s7], $0x2FFFF;
	_ =	strace $0x9FFFFFFF  }
0x3a: {  	(tm) =	ssettm $0x7FFFFFFF  }
0x3b: {  	_ =	shalt  }
tec
execute0_lowered:
.L_overlay_start_1:
0x0: {  	(tag) =	ssettag $0x1  }
0x1: {  	s0 =	srdreg.scid  }
0x2: {  	s1 =	sshll.u32 s0, $0x4  }
0x3: {  	s0 =	stileid.u32;
	s1 =	sand.u32 $0x10, s1  }
0x4: {  	s1 =	sor.u32 s0, s1  }
0x5: {  	s6 =	rddreg [dreg:$0x0];
	s4 =	simm.s32 $0x1;
	s2 =	sshll.u32 s1, $0x7  }
0x6: {  	s7 =	simm.s32 $0x2;
	s12 =	simm.s32 $0x0;
	s1 =	ssub.s32 $0x1000, s2  }
0x7: {  	s8 =	simm.s32 $0x8000;
	s13 =	simm.s32 $0x0;
	s3 =	sand.u32 $0xF80, s1  }
0x8: {  	s9 =	simm.s32 $0x0;
	s5 =	sshrl.u32 s1, $0xC;
	p0 =	sne.s32 s3, $0x0  }
.Ltmp0:
0x9: {  	s1 =	rddreg [dreg:$0x2];
	s4 =	simm.s32 @!p0 $0x0;
	(pc) =	sbr.rel .LBB1_1-.Ltmp0, $4  }
0xa: {  	s11 =	simm.s32 $0x0;
	s3 =	rddreg [dreg:$0x1];
	s5 =	sadd.s32 s4, s5  }
0xb: {  	_ =	strace $0x8000004A;
	s4 =	simm.s32 $0x1;
	s5 =	smul.u32 $0xC8, s5  }
0xc: {  	s6 =	sadd.s32 $0xA00, s6;
	s10 =	smov.u32 s2;
	[sflag:s4] =	ssyncpa.u1 $0x0  }
0xd: {  	p0 =	por $0x0, $0x0;
	[sflag:s7] =	ssyncpa.u1 $0x0;
	s7 =	sor.u32 $0x1, s5  }
.LBB1_4:
0xe: {  	s16 =	sshll.u32 s13, $0x3;
	s17 =	sand.u32 $0x78, s13  }
0xf: {  	s30 =	sand.u32 $0x3E00, s13;
	s12 =	sshll.u32 s12, $0xE;
	s16 =	sand.u32 $0xC00, s16  }
0x10: {  	s31 =	sand.u32 $0x7, s13;
	s16 =	sor.u32 s17, s16;
	s17 =	sadd.s32 s3, s30  }
0x11: {  	s13 =	sshll.u32 s31, $0x12;
	s16 =	sshrl.u32 s16, $0x3;
	s12 =	sadd.s32 s12, s17  }
0x12: {  	[tilespmem:s15+$0x0 ss:$0x81] =	vst.msk $0xffff, v0;
	s13 =	sor.u32 $0x400, s13;
	s12 =	sadd.s32 s16, s12  }
0x13: {  	[hbm4b:s12+s13] =	stream.strided.scatter [tilespmem:s14], [sflag:$0x2], $0x1000, s8, s13, $0x20;
	[tilespmem:$0x4040] =	vst v63  }
.LBB1_5:
0x14: {  	s14 =	sadd.s32 $0x1, s9  }
0x15: {  	s12 =	sadd.s32 $0x1000, s10;
	s16 =	smov.u32 s10;
	p2 =	sgt.s32 s14, $0xC7  }
0x16: {  	s16 =	smov.u32 @p2 s12  }
0x17: {  	s14 =	simm.s32 @p2 $0x0;
	p2 =	sgt.s32 s16, $0xFFF  }
0x18: {  	s16 =	smov.u32 @p2 s2;
	p2 =	sne.s32 s11, s7  }
.Ltmp1:
0x19: {  	p1 =	slt.u32 s11, $0x2;
	(pc) =	sbr.rel @!p2 .LBB1_6-.Ltmp1, $4  }
0x1a: {  	s15 =	simm.s32 @!p1 $0x2  }
0x1b: {  	s13 =	smov.u32 s10;
	p0 =	por !p0, !p0;
	_ =	swait.ge @!p1 [sflag:s15], $0x1000  }
0x1c: {  	s12 =	smov.u32 s9;
	[sflag:s15] =	ssyncset.done @!p1 $0x0;
	s9 =	smov.u32 s14  }
0x1d: {  	s11 =	sadd.s32 $0x1, s11;
	[sflag:s15] =	ssyncadd.s32 @!p1 $0xFFFFF000;
	s10 =	smov.u32 s16  }
.LBB1_1:
0x1e: {  	p1 =	sge.u32 s11, s5  }
0x1f: {  	s14 =	sand.u32 @!p1 $0x1FFFFFF, s9  }
0x20: {  	s15 =	smulhi.u32 @!p1 $0x147AE15, s14;
	_ =	sdelay $0x1  }
0x21: {  	s15 =	smul.u32 @!p1 $0xC8, s15  }
0x22: {  	s16 =	sxor.u32 @!p1 $0xFFFFFFFF, s11;
	s17 =	smul.u32 @!p1 $0xC80, s10  }
0x23: {  	s31 =	sadd.s32 $0xFFFFFFFF, s11;
	s16 =	sshll.u32 @!p1 s16, $0xC;
	s14 =	ssub.s32 @!p1 s14, s15  }
0x24: {  	s15 =	sand.u32 @!p1 $0x1000, s16;
	s16 =	sadd.s32 @!p1 s6, s17;
	s14 =	sshll.u32 @!p1 s14, $0x4  }
0x25: {  	s17 =	simm.s32 @!p1 $0x6400;
	s14 =	sadd.s32 @!p1 s14, s16;
	s16 =	simm.s32 @!p1 $0x20  }
0x26: {  	[tilespmem:s15], [sflag:$0x1] =	stream.strided.gather @!p1 [hbm4b:s14+s16], $0x1000, s17, s16, $0x38;
	[tilespmem:$0x4040] =	vst v63  }
0x27: {  	p1 =	sge.u32 s31, s5  }
.Ltmp2:
0x28: {  	_ = 	snop;
	(pc) =	sbr.rel @p1 .LBB1_5-.Ltmp2, $1  }
0x29: {  	_ =	sdelay $0x3  }
0x2a: {  	s14 =	simm.s32 $0x1  }
0x2b: {  	_ =	swait.ge [sflag:s4], $0x1000;
	s14 =	simm.s32 @!p0 $0x0  }
0x2c: {  	[sflag:s4] =	ssyncset.done $0x0;
	s15 =	sshll.u32 s14, $0xC  }
0x2d: {  	[sflag:s4] =	ssyncadd.s32 $0xFFFFF000;
	s18 =	sor.u32 $0x10, s15  }
0x2e: {  	s14 =	smul.u32 $0x4080, s14;
	v1 =	vld [tilespmem:s18+$0x0]  }
0x2f: {  	s30 =	sand.u32 $0x1, s11;
	v0 =	vld [tilespmem:s18+$0xFFFFFFF0]  }
0x30: {  	s15 =	smul.u32 $0x4080, s30;
	s14 =	sshrl.u32 s14, $0x2  }
0x31: {  	s16 =	sor.u32 $0x2000, s14  }
0x32: {  	s31 =	sshrl.u32 s15, $0x2;
	s15 =	sadd.s32 $0x0, s16  }
0x33: {  	s17 =	simm.s32 $0x4;
	s18 =	sadd.s32 $0x20, s18;
	s14 =	sor.u32 $0x2000, s31;
	[tilespmem:s15+$0x810 ss:$0x81] =	vst.msk $0xffff, v1  }
.LBB1_3:
0x34: {  	v1 =	vld [tilespmem:s18+$0x0];
	p1 =	sne.s32 s17, $0x1FC;
	[tilespmem:s15+$0x0 ss:$0x81] =	vst.msk $0xffff, v0;
	s15 =	smov.u32 s17;
	s17 =	sadd.s32 $0x4, s17  }
.Ltmp3:
0x35: {  	v0 =	vld [tilespmem:s18+$0xFFFFFFF0];
	(pc) =	sbr.rel @p1 .LBB1_3-.Ltmp3, $4  }
0x36: {  	_ = 	snop  }
0x37: {  	s15 =	sshra.s32 s15, $0x2  }
0x38: {  	s15 =	sadd.s32 s15, s16  }
0x39: {  	s18 =	sadd.s32 $0x20, s18;
	[tilespmem:s15+$0x810 ss:$0x81] =	vst.msk $0xffff, v1  }
.Ltmp4:
0x3a: {  	_ = 	snop;
	(pc) =	sbr.rel .LBB1_4-.Ltmp4, $1  }
0x3b: {  	_ =	sdelay $0x3  }
.LBB1_6:
0x3c: {  	_ =	sfence.sel $0x180000  }
0x3d: {  	s2 =	simm.s32 $0x1;
	[bflag:$0x0] =	sbarrier.arrive $0xFFFF  }
0x3e: {  	s31 =	simm.s32 $0x2;
	[sflag:s2] =	ssyncpa.u1 $0x1  }
0x3f: {  	[sflag:s31] =	ssyncpa.u1 $0x1  }
0x40: {  	p0 =	sne.s32 s0, $0x0;
	_ =	strace $0x9000004A  }
0x41: {  	s0 =	sadd.s32 @!p0 $0x100000, s1;
	[bflag:$0x2] =	sbarrier.arrive $0xFFFF  }
0x42: {  	[sflag:s0] =	ssyncadd.tile.s32 @!p0 $0x1;
	_ =	shalt  }
.Lfunc_end1:
_tile_overlayer_lowered:
.L_overlay_start_2:
0x43: {  	(tag) =	ssettag $0x2  }
0x44: {  	s0 =	rddreg [dreg:$0x0];
	s2 =	stileid.u32  }
0x45: {  	s1 =	rddreg [dreg:$0x1];
	p0 =	sne.s32 s2, $0x0  }
0x46: {  	s3 =	rddreg [dreg:$0x2];
	[bflag:$0x3] =	sbarrier.arrive $0xFFFF;
	s2 =	simm.s32 @!p0 $0x1C01  }
0x47: {  	[timem:s3], [sflag:s2] =	dma.local @!p0 [hbm:s0], s1  }
0x48: {  	s0 =	simm.s32 @!p0 $0x1  }
0x49: {  	_ =	swait.ge @!p0 [sflag:s0], s1  }
0x4a: {  	s1 =	ssub.s32 @!p0 $0x0, s1;
	[sflag:s0] =	ssyncset.done @!p0 $0x0  }
0x4b: {  	[sflag:s0] =	ssyncadd.s32 @!p0 s1  }
0x4c: {  	[bflag:$0x3] =	sbarrier.arrive $0xFFFF  }
0x4d: {  	_ =	shalt  }

</sc_bundles>
